<compile_context>
chip_gen: v7x
topology: tpu7x:2x2x1
jax: 0.10.2.dev20260603
libtpu: 0.0.44.dev20260713+nightly
codegen_flags: <defaults>
</compile_context>

<pallas_src>
import jax
import jax.numpy as jnp
from jax import lax
from jax.experimental import pallas as pl
from jax.experimental.pallas import tpu as pltpu
from jax.experimental.pallas import tpu_sc as plsc

B = 4096
L = 50
EMB = 128

NC = 2
NS = 16
NW = NC * NS
COLS = B // NW


def _sc_gather_lmajor(table, idx_t):
    mesh = plsc.VectorSubcoreMesh(core_axis_name="core",
                                  subcore_axis_name="subcore")

    @pl.kernel(out_type=jax.ShapeDtypeStruct((L, B, EMB), table.dtype),
               mesh=mesh,
               scratch_types=[
                   pltpu.VMEM((L, COLS), jnp.int32),
                   pltpu.VMEM((COLS, EMB), jnp.float32),
                   pltpu.VMEM((COLS, EMB), jnp.float32),
                   pltpu.VMEM((COLS, EMB), jnp.float32),
                   pltpu.VMEM((COLS, EMB), jnp.float32),
                   pltpu.SemaphoreType.DMA,
                   pltpu.SemaphoreType.DMA,
                   pltpu.SemaphoreType.DMA,
                   pltpu.SemaphoreType.DMA,
                   pltpu.SemaphoreType.DMA,
                   pltpu.SemaphoreType.DMA,
                   pltpu.SemaphoreType.DMA,
                   pltpu.SemaphoreType.DMA,
                   pltpu.SemaphoreType.DMA,
               ])
    def gather_kernel(table_hbm, i_hbm, o_hbm, idx_v,
                      bufa0, bufa1, bufb0, bufb1,
                      si, sga0, sga1, sgb0, sgb1, soa0, soa1, sob0, sob1):
        core = lax.axis_index("core")
        sub = lax.axis_index("subcore")
        base = (sub * NC + core) * COLS

        pltpu.async_copy(i_hbm.at[:, pl.ds(base, COLS)], idx_v, si).wait()

        def gth(l, buf, sem):
            return pltpu.make_async_copy(table_hbm.at[idx_v.at[l]], buf, sem)

        def out(l, buf, sem):
            return pltpu.make_async_copy(buf, o_hbm.at[l, pl.ds(base, COLS)],
                                         sem)

        gth(0, bufa0, sga0).start()
        gth(1, bufa1, sga1).start()
        gth(2, bufb0, sgb0).start()
        gth(3, bufb1, sgb1).start()
        gth(0, bufa0, sga0).wait()
        out(0, bufa0, soa0).start()
        gth(1, bufa1, sga1).wait()
        out(1, bufa1, soa1).start()

        @pl.loop(0, 11)
        def _(k):
            l = 4 * k
            gth(l + 2, bufb0, sgb0).wait()
            out(l + 2, bufb0, sob0).start()
            gth(l + 3, bufb1, sgb1).wait()
            out(l + 3, bufb1, sob1).start()
            out(l, bufa0, soa0).wait()
            gth(l + 4, bufa0, sga0).start()
            out(l + 1, bufa1, soa1).wait()
            gth(l + 5, bufa1, sga1).start()
            gth(l + 4, bufa0, sga0).wait()
            out(l + 4, bufa0, soa0).start()
            gth(l + 5, bufa1, sga1).wait()
            out(l + 5, bufa1, soa1).start()
            out(l + 2, bufb0, sob0).wait()
            gth(l + 6, bufb0, sgb0).start()
            out(l + 3, bufb1, sob1).wait()
            gth(l + 7, bufb1, sgb1).start()

        gth(46, bufb0, sgb0).wait()
        out(46, bufb0, sob0).start()
        gth(47, bufb1, sgb1).wait()
        out(47, bufb1, sob1).start()
        out(44, bufa0, soa0).wait()
        gth(48, bufa0, sga0).start()
        out(45, bufa1, soa1).wait()
        gth(49, bufa1, sga1).start()
        gth(48, bufa0, sga0).wait()
        out(48, bufa0, soa0).start()
        gth(49, bufa1, sga1).wait()
        out(49, bufa1, soa1).start()
        out(46, bufb0, sob0).wait()
        out(47, bufb1, sob1).wait()
        out(48, bufa0, soa0).wait()
        out(49, bufa1, soa1).wait()

    return gather_kernel(table, idx_t)


def kernel(x, table):
    idx_t = x.astype(jnp.int32).T
    out_t = _sc_gather_lmajor(table, idx_t)
    return jnp.transpose(out_t, (1, 0, 2))

# --- scband reference (transcript-rebuilt; emitter-appended) ---
"""Pipeline reference for scband-token-embeddings-50689204027407 (READ-ONLY COPY).

The authoritative reference and input builder live on the scoring server;
editing this copy changes nothing except your own understanding.
"""

import jax, jax.numpy as jnp
import numpy as np

VOCAB = 100000
EMB = 128
B = 4096
L = 50

def setup_inputs(seed: int = 0) -> dict:
    key = jax.random.key(seed)
    k_idx, k_tab = jax.random.split(key)
    x = jax.random.randint(k_idx, (B, L), 0, VOCAB, dtype=jnp.int64)
    table = jax.random.normal(k_tab, (VOCAB, EMB), dtype=jnp.float32)
    return {"x": x, "table": table}

def reference(x, table):
    # nn.Embedding forward: plain gather of rows from the table
    return jnp.take(table, x, axis=0)

if __name__ == "__main__":
    import jax
    _d = setup_inputs()
    print(jax.jit(kernel)(*tuple(_d.values())))

</pallas_src>

<mosaic_0001>
#map = affine_map<(d0, d1) -> (0, 0)>
#map1 = affine_map<(d0, d1) -> (0, 0, 0)>
module attributes {stable_mosaic.version = 14 : i64} {
  func.func @gather_kernel(%arg0: i32, %arg1: i32, %arg2: memref<100000x128xf32, #tpu.memory_space<hbm>>, %arg3: memref<50x4096xi32, #tpu.memory_space<hbm>>, %arg4: memref<50x4096x128xf32, #tpu.memory_space<hbm>>, %arg5: memref<50x128xi32, #tpu.memory_space<vmem>>, %arg6: memref<128x128xf32, #tpu.memory_space<vmem>>, %arg7: memref<128x128xf32, #tpu.memory_space<vmem>>, %arg8: memref<128x128xf32, #tpu.memory_space<vmem>>, %arg9: memref<128x128xf32, #tpu.memory_space<vmem>>, %arg10: memref<!tpu.dma_semaphore, #tpu.memory_space<semaphore_mem>>, %arg11: memref<!tpu.dma_semaphore, #tpu.memory_space<semaphore_mem>>, %arg12: memref<!tpu.dma_semaphore, #tpu.memory_space<semaphore_mem>>, %arg13: memref<!tpu.dma_semaphore, #tpu.memory_space<semaphore_mem>>, %arg14: memref<!tpu.dma_semaphore, #tpu.memory_space<semaphore_mem>>, %arg15: memref<!tpu.dma_semaphore, #tpu.memory_space<semaphore_mem>>, %arg16: memref<!tpu.dma_semaphore, #tpu.memory_space<semaphore_mem>>, %arg17: memref<!tpu.dma_semaphore, #tpu.memory_space<semaphore_mem>>, %arg18: memref<!tpu.dma_semaphore, #tpu.memory_space<semaphore_mem>>) attributes {dimension_semantics = [#tpu.dimension_semantics<core_parallel>, #tpu.dimension_semantics<subcore_parallel>], iteration_bounds = array<i64: 2, 16>, scalar_prefetch = 0 : i64, scratch_operands = 14 : i64, tpu.core_type = #tpu.core_type<sc_vector_subcore>, window_params = [{transform_indices = #map}, {transform_indices = #map}, {transform_indices = #map1}]} {
    %mul3A = arith.constant 2 : i32
    %mul3A_0 = arith.muli %arg1, %mul3A : i32
    %add3A = arith.addi %mul3A_0, %arg0 : i32
    %mul3A_1 = arith.constant 128 : i32
    %mul3A_2 = arith.muli %add3A, %mul3A_1 : i32
    %dma_start3A = arith.constant 0 : i32
    %dma_start3A_3 = tpu.memref_slice %arg3[%dma_start3A, %mul3A_2] : memref<50x4096xi32, #tpu.memory_space<hbm>> -> memref<50x128xi32, #tpu.memory_space<hbm>>
    %dma_start3A_4 = arith.constant 0 : i32
    %dma_start3A_5 = tpu.memref_slice %arg3[%dma_start3A_4, %mul3A_2] : memref<50x4096xi32, #tpu.memory_space<hbm>> -> memref<50x128xi32, #tpu.memory_space<hbm>>
    tpu.enqueue_dma source(%dma_start3A_5 : memref<50x128xi32, #tpu.memory_space<hbm>>) target(%arg5 : memref<50x128xi32, #tpu.memory_space<vmem>>) target_semaphore(%arg10 : memref<!tpu.dma_semaphore, #tpu.memory_space<semaphore_mem>>)
    %dma_wait3A = arith.constant 0 : i32
    %dma_wait3A_6 = tpu.memref_slice %arg3[%dma_wait3A, %mul3A_2] : memref<50x4096xi32, #tpu.memory_space<hbm>> -> memref<50x128xi32, #tpu.memory_space<hbm>>
    %dma_wait3A_7 = arith.constant 0 : i32
    %dma_wait3A_8 = tpu.memref_slice %arg3[%dma_wait3A_7, %mul3A_2] : memref<50x4096xi32, #tpu.memory_space<hbm>> -> memref<50x128xi32, #tpu.memory_space<hbm>>
    tpu.wait_dma2 semaphore(%arg10 : memref<!tpu.dma_semaphore, #tpu.memory_space<semaphore_mem>>) src(%dma_wait3A_8 : memref<50x128xi32, #tpu.memory_space<hbm>>) dst(%arg5 : memref<50x128xi32, #tpu.memory_space<vmem>>)
    %dma_start3A_9 = arith.constant 0 : i32
    %dma_start3A_10 = arith.constant 0 : i32
    %dma_start3A_11 = tpu.memref_slice %arg5[%dma_start3A_9, %dma_start3A_10] : memref<50x128xi32, #tpu.memory_space<vmem>> -> memref<1x128xi32, #tpu.memory_space<vmem>>
    %dma_start3A_12 = tpu.memref_squeeze %dma_start3A_11 : memref<1x128xi32, #tpu.memory_space<vmem>> -> memref<128xi32, #tpu.memory_space<vmem>>
    %dma_start3A_13 = arith.constant 0 : i32
    %dma_start3A_14 = arith.constant 0 : i32
    %dma_start3A_15 = tpu.memref_slice %arg2[%dma_start3A_13, %dma_start3A_14] : memref<100000x128xf32, #tpu.memory_space<hbm>> -> memref<100000x128xf32, #tpu.memory_space<hbm>>
    tpu.enqueue_indirect_dma source(%dma_start3A_15 : memref<100000x128xf32, #tpu.memory_space<hbm>>) target(%arg6 : memref<128x128xf32, #tpu.memory_space<vmem>>) offsets(%dma_start3A_12 : memref<128xi32, #tpu.memory_space<vmem>>) semaphore(%arg11 : memref<!tpu.dma_semaphore, #tpu.memory_space<semaphore_mem>>)
    %dma_start3A_16 = arith.constant 1 : i32
    %dma_start3A_17 = arith.constant 0 : i32
    %dma_start3A_18 = tpu.memref_slice %arg5[%dma_start3A_16, %dma_start3A_17] : memref<50x128xi32, #tpu.memory_space<vmem>> -> memref<1x128xi32, #tpu.memory_space<vmem>>
    %dma_start3A_19 = tpu.memref_squeeze %dma_start3A_18 : memref<1x128xi32, #tpu.memory_space<vmem>> -> memref<128xi32, #tpu.memory_space<vmem>>
    %dma_start3A_20 = arith.constant 0 : i32
    %dma_start3A_21 = arith.constant 0 : i32
    %dma_start3A_22 = tpu.memref_slice %arg2[%dma_start3A_20, %dma_start3A_21] : memref<100000x128xf32, #tpu.memory_space<hbm>> -> memref<100000x128xf32, #tpu.memory_space<hbm>>
    tpu.enqueue_indirect_dma source(%dma_start3A_22 : memref<100000x128xf32, #tpu.memory_space<hbm>>) target(%arg7 : memref<128x128xf32, #tpu.memory_space<vmem>>) offsets(%dma_start3A_19 : memref<128xi32, #tpu.memory_space<vmem>>) semaphore(%arg12 : memref<!tpu.dma_semaphore, #tpu.memory_space<semaphore_mem>>)
    %dma_start3A_23 = arith.constant 2 : i32
    %dma_start3A_24 = arith.constant 0 : i32
    %dma_start3A_25 = tpu.memref_slice %arg5[%dma_start3A_23, %dma_start3A_24] : memref<50x128xi32, #tpu.memory_space<vmem>> -> memref<1x128xi32, #tpu.memory_space<vmem>>
    %dma_start3A_26 = tpu.memref_squeeze %dma_start3A_25 : memref<1x128xi32, #tpu.memory_space<vmem>> -> memref<128xi32, #tpu.memory_space<vmem>>
    %dma_start3A_27 = arith.constant 0 : i32
    %dma_start3A_28 = arith.constant 0 : i32
    %dma_start3A_29 = tpu.memref_slice %arg2[%dma_start3A_27, %dma_start3A_28] : memref<100000x128xf32, #tpu.memory_space<hbm>> -> memref<100000x128xf32, #tpu.memory_space<hbm>>
    tpu.enqueue_indirect_dma source(%dma_start3A_29 : memref<100000x128xf32, #tpu.memory_space<hbm>>) target(%arg8 : memref<128x128xf32, #tpu.memory_space<vmem>>) offsets(%dma_start3A_26 : memref<128xi32, #tpu.memory_space<vmem>>) semaphore(%arg13 : memref<!tpu.dma_semaphore, #tpu.memory_space<semaphore_mem>>)
    %dma_start3A_30 = arith.constant 3 : i32
    %dma_start3A_31 = arith.constant 0 : i32
    %dma_start3A_32 = tpu.memref_slice %arg5[%dma_start3A_30, %dma_start3A_31] : memref<50x128xi32, #tpu.memory_space<vmem>> -> memref<1x128xi32, #tpu.memory_space<vmem>>
    %dma_start3A_33 = tpu.memref_squeeze %dma_start3A_32 : memref<1x128xi32, #tpu.memory_space<vmem>> -> memref<128xi32, #tpu.memory_space<vmem>>
    %dma_start3A_34 = arith.constant 0 : i32
    %dma_start3A_35 = arith.constant 0 : i32
    %dma_start3A_36 = tpu.memref_slice %arg2[%dma_start3A_34, %dma_start3A_35] : memref<100000x128xf32, #tpu.memory_space<hbm>> -> memref<100000x128xf32, #tpu.memory_space<hbm>>
    tpu.enqueue_indirect_dma source(%dma_start3A_36 : memref<100000x128xf32, #tpu.memory_space<hbm>>) target(%arg9 : memref<128x128xf32, #tpu.memory_space<vmem>>) offsets(%dma_start3A_33 : memref<128xi32, #tpu.memory_space<vmem>>) semaphore(%arg14 : memref<!tpu.dma_semaphore, #tpu.memory_space<semaphore_mem>>)
    %dma_wait3A_37 = arith.constant 0 : i32
    %dma_wait3A_38 = arith.constant 0 : i32
    %dma_wait3A_39 = tpu.memref_slice %arg5[%dma_wait3A_37, %dma_wait3A_38] : memref<50x128xi32, #tpu.memory_space<vmem>> -> memref<1x128xi32, #tpu.memory_space<vmem>>
    %dma_wait3A_40 = tpu.memref_squeeze %dma_wait3A_39 : memref<1x128xi32, #tpu.memory_space<vmem>> -> memref<128xi32, #tpu.memory_space<vmem>>
    %dma_wait3A_41 = arith.constant 0 : i32
    %dma_wait3A_42 = arith.constant 0 : i32
    %dma_wait3A_43 = tpu.memref_slice %arg2[%dma_wait3A_41, %dma_wait3A_42] : memref<100000x128xf32, #tpu.memory_space<hbm>> -> memref<100000x128xf32, #tpu.memory_space<hbm>>
    tpu.wait_indirect_dma semaphore(%arg11 : memref<!tpu.dma_semaphore, #tpu.memory_space<semaphore_mem>>) src(%dma_wait3A_43 : memref<100000x128xf32, #tpu.memory_space<hbm>>) dst(%arg6 : memref<128x128xf32, #tpu.memory_space<vmem>>)
    %dma_start3A_44 = arith.constant 0 : i32
    %dma_start3A_45 = arith.constant 0 : i32
    %dma_start3A_46 = tpu.memref_slice %arg4[%dma_start3A_44, %mul3A_2, %dma_start3A_45] : memref<50x4096x128xf32, #tpu.memory_space<hbm>> -> memref<1x128x128xf32, #tpu.memory_space<hbm>>
    %dma_start3A_47 = tpu.memref_squeeze %dma_start3A_46 : memref<1x128x128xf32, #tpu.memory_space<hbm>> -> memref<128x128xf32, #tpu.memory_space<hbm>>
    %dma_start3A_48 = arith.constant 0 : i32
    %dma_start3A_49 = tpu.memref_slice %arg4[%dma_start3A_44, %mul3A_2, %dma_start3A_48] : memref<50x4096x128xf32, #tpu.memory_space<hbm>> -> memref<1x128x128xf32, #tpu.memory_space<hbm>>
    %dma_start3A_50 = tpu.memref_squeeze %dma_start3A_49 : memref<1x128x128xf32, #tpu.memory_space<hbm>> -> memref<128x128xf32, #tpu.memory_space<hbm>>
    tpu.enqueue_dma source(%arg6 : memref<128x128xf32, #tpu.memory_space<vmem>>) target(%dma_start3A_50 : memref<128x128xf32, #tpu.memory_space<hbm>>) target_semaphore(%arg15 : memref<!tpu.dma_semaphore, #tpu.memory_space<semaphore_mem>>)
    %dma_wait3A_51 = arith.constant 1 : i32
    %dma_wait3A_52 = arith.constant 0 : i32
    %dma_wait3A_53 = tpu.memref_slice %arg5[%dma_wait3A_51, %dma_wait3A_52] : memref<50x128xi32, #tpu.memory_space<vmem>> -> memref<1x128xi32, #tpu.memory_space<vmem>>
    %dma_wait3A_54 = tpu.memref_squeeze %dma_wait3A_53 : memref<1x128xi32, #tpu.memory_space<vmem>> -> memref<128xi32, #tpu.memory_space<vmem>>
    %dma_wait3A_55 = arith.constant 0 : i32
    %dma_wait3A_56 = arith.constant 0 : i32
    %dma_wait3A_57 = tpu.memref_slice %arg2[%dma_wait3A_55, %dma_wait3A_56] : memref<100000x128xf32, #tpu.memory_space<hbm>> -> memref<100000x128xf32, #tpu.memory_space<hbm>>
    tpu.wait_indirect_dma semaphore(%arg12 : memref<!tpu.dma_semaphore, #tpu.memory_space<semaphore_mem>>) src(%dma_wait3A_57 : memref<100000x128xf32, #tpu.memory_space<hbm>>) dst(%arg7 : memref<128x128xf32, #tpu.memory_space<vmem>>)
    %dma_start3A_58 = arith.constant 1 : i32
    %dma_start3A_59 = arith.constant 0 : i32
    %dma_start3A_60 = tpu.memref_slice %arg4[%dma_start3A_58, %mul3A_2, %dma_start3A_59] : memref<50x4096x128xf32, #tpu.memory_space<hbm>> -> memref<1x128x128xf32, #tpu.memory_space<hbm>>
    %dma_start3A_61 = tpu.memref_squeeze %dma_start3A_60 : memref<1x128x128xf32, #tpu.memory_space<hbm>> -> memref<128x128xf32, #tpu.memory_space<hbm>>
    %dma_start3A_62 = arith.constant 0 : i32
    %dma_start3A_63 = tpu.memref_slice %arg4[%dma_start3A_58, %mul3A_2, %dma_start3A_62] : memref<50x4096x128xf32, #tpu.memory_space<hbm>> -> memref<1x128x128xf32, #tpu.memory_space<hbm>>
    %dma_start3A_64 = tpu.memref_squeeze %dma_start3A_63 : memref<1x128x128xf32, #tpu.memory_space<hbm>> -> memref<128x128xf32, #tpu.memory_space<hbm>>
    tpu.enqueue_dma source(%arg7 : memref<128x128xf32, #tpu.memory_space<vmem>>) target(%dma_start3A_64 : memref<128x128xf32, #tpu.memory_space<hbm>>) target_semaphore(%arg16 : memref<!tpu.dma_semaphore, #tpu.memory_space<semaphore_mem>>)
    %scan3A = arith.constant 0 : i32
    %scan3A_65 = arith.constant 11 : i32
    %scan3A_66 = arith.addi %scan3A, %scan3A_65 : i32
    %scan3A_67 = arith.constant 1 : i32
    scf.for %scan3A_181 = %scan3A to %scan3A_66 step %scan3A_67  : i32 {
      %mul3A_182 = arith.constant 1 : i32
      %mul3A_183 = arith.muli %scan3A_181, %mul3A_182 : i32
      %add3A_184 = arith.constant 0 : i32
      %add3A_185 = arith.addi %add3A_184, %mul3A_183 : i32
      %mul3A_186 = arith.constant 4 : i32
      %mul3A_187 = arith.muli %mul3A_186, %add3A_185 : i32
      %add3A_188 = arith.constant 2 : i32
      %add3A_189 = arith.addi %mul3A_187, %add3A_188 : i32
      %dma_wait3A_190 = arith.constant 0 : i32
      %dma_wait3A_191 = tpu.memref_slice %arg5[%add3A_189, %dma_wait3A_190] : memref<50x128xi32, #tpu.memory_space<vmem>> -> memref<1x128xi32, #tpu.memory_space<vmem>>
      %dma_wait3A_192 = tpu.memref_squeeze %dma_wait3A_191 : memref<1x128xi32, #tpu.memory_space<vmem>> -> memref<128xi32, #tpu.memory_space<vmem>>
      %dma_wait3A_193 = arith.constant 0 : i32
      %dma_wait3A_194 = arith.constant 0 : i32
      %dma_wait3A_195 = tpu.memref_slice %arg2[%dma_wait3A_193, %dma_wait3A_194] : memref<100000x128xf32, #tpu.memory_space<hbm>> -> memref<100000x128xf32, #tpu.memory_space<hbm>>
      tpu.wait_indirect_dma semaphore(%arg13 : memref<!tpu.dma_semaphore, #tpu.memory_space<semaphore_mem>>) src(%dma_wait3A_195 : memref<100000x128xf32, #tpu.memory_space<hbm>>) dst(%arg8 : memref<128x128xf32, #tpu.memory_space<vmem>>)
      %add3A_196 = arith.constant 2 : i32
      %add3A_197 = arith.addi %mul3A_187, %add3A_196 : i32
      %dma_start3A_198 = arith.constant 0 : i32
      %dma_start3A_199 = tpu.memref_slice %arg4[%add3A_197, %mul3A_2, %dma_start3A_198] : memref<50x4096x128xf32, #tpu.memory_space<hbm>> -> memref<1x128x128xf32, #tpu.memory_space<hbm>>
      %dma_start3A_200 = tpu.memref_squeeze %dma_start3A_199 : memref<1x128x128xf32, #tpu.memory_space<hbm>> -> memref<128x128xf32, #tpu.memory_space<hbm>>
      %dma_start3A_201 = arith.constant 0 : i32
      %dma_start3A_202 = tpu.memref_slice %arg4[%add3A_197, %mul3A_2, %dma_start3A_201] : memref<50x4096x128xf32, #tpu.memory_space<hbm>> -> memref<1x128x128xf32, #tpu.memory_space<hbm>>
      %dma_start3A_203 = tpu.memref_squeeze %dma_start3A_202 : memref<1x128x128xf32, #tpu.memory_space<hbm>> -> memref<128x128xf32, #tpu.memory_space<hbm>>
      tpu.enqueue_dma source(%arg8 : memref<128x128xf32, #tpu.memory_space<vmem>>) target(%dma_start3A_203 : memref<128x128xf32, #tpu.memory_space<hbm>>) target_semaphore(%arg17 : memref<!tpu.dma_semaphore, #tpu.memory_space<semaphore_mem>>)
      %add3A_204 = arith.constant 3 : i32
      %add3A_205 = arith.addi %mul3A_187, %add3A_204 : i32
      %dma_wait3A_206 = arith.constant 0 : i32
      %dma_wait3A_207 = tpu.memref_slice %arg5[%add3A_205, %dma_wait3A_206] : memref<50x128xi32, #tpu.memory_space<vmem>> -> memref<1x128xi32, #tpu.memory_space<vmem>>
      %dma_wait3A_208 = tpu.memref_squeeze %dma_wait3A_207 : memref<1x128xi32, #tpu.memory_space<vmem>> -> memref<128xi32, #tpu.memory_space<vmem>>
      %dma_wait3A_209 = arith.constant 0 : i32
      %dma_wait3A_210 = arith.constant 0 : i32
      %dma_wait3A_211 = tpu.memref_slice %arg2[%dma_wait3A_209, %dma_wait3A_210] : memref<100000x128xf32, #tpu.memory_space<hbm>> -> memref<100000x128xf32, #tpu.memory_space<hbm>>
      tpu.wait_indirect_dma semaphore(%arg14 : memref<!tpu.dma_semaphore, #tpu.memory_space<semaphore_mem>>) src(%dma_wait3A_211 : memref<100000x128xf32, #tpu.memory_space<hbm>>) dst(%arg9 : memref<128x128xf32, #tpu.memory_space<vmem>>)
      %add3A_212 = arith.constant 3 : i32
      %add3A_213 = arith.addi %mul3A_187, %add3A_212 : i32
      %dma_start3A_214 = arith.constant 0 : i32
      %dma_start3A_215 = tpu.memref_slice %arg4[%add3A_213, %mul3A_2, %dma_start3A_214] : memref<50x4096x128xf32, #tpu.memory_space<hbm>> -> memref<1x128x128xf32, #tpu.memory_space<hbm>>
      %dma_start3A_216 = tpu.memref_squeeze %dma_start3A_215 : memref<1x128x128xf32, #tpu.memory_space<hbm>> -> memref<128x128xf32, #tpu.memory_space<hbm>>
      %dma_start3A_217 = arith.constant 0 : i32
      %dma_start3A_218 = tpu.memref_slice %arg4[%add3A_213, %mul3A_2, %dma_start3A_217] : memref<50x4096x128xf32, #tpu.memory_space<hbm>> -> memref<1x128x128xf32, #tpu.memory_space<hbm>>
      %dma_start3A_219 = tpu.memref_squeeze %dma_start3A_218 : memref<1x128x128xf32, #tpu.memory_space<hbm>> -> memref<128x128xf32, #tpu.memory_space<hbm>>
      tpu.enqueue_dma source(%arg9 : memref<128x128xf32, #tpu.memory_space<vmem>>) target(%dma_start3A_219 : memref<128x128xf32, #tpu.memory_space<hbm>>) target_semaphore(%arg18 : memref<!tpu.dma_semaphore, #tpu.memory_space<semaphore_mem>>)
      %dma_wait3A_220 = arith.constant 0 : i32
      %dma_wait3A_221 = tpu.memref_slice %arg4[%mul3A_187, %mul3A_2, %dma_wait3A_220] : memref<50x4096x128xf32, #tpu.memory_space<hbm>> -> memref<1x128x128xf32, #tpu.memory_space<hbm>>
      %dma_wait3A_222 = tpu.memref_squeeze %dma_wait3A_221 : memref<1x128x128xf32, #tpu.memory_space<hbm>> -> memref<128x128xf32, #tpu.memory_space<hbm>>
      %dma_wait3A_223 = arith.constant 0 : i32
      %dma_wait3A_224 = tpu.memref_slice %arg4[%mul3A_187, %mul3A_2, %dma_wait3A_223] : memref<50x4096x128xf32, #tpu.memory_space<hbm>> -> memref<1x128x128xf32, #tpu.memory_space<hbm>>
      %dma_wait3A_225 = tpu.memref_squeeze %dma_wait3A_224 : memref<1x128x128xf32, #tpu.memory_space<hbm>> -> memref<128x128xf32, #tpu.memory_space<hbm>>
      tpu.wait_dma2 semaphore(%arg15 : memref<!tpu.dma_semaphore, #tpu.memory_space<semaphore_mem>>) src(%arg6 : memref<128x128xf32, #tpu.memory_space<vmem>>) dst(%dma_wait3A_225 : memref<128x128xf32, #tpu.memory_space<hbm>>)
      %add3A_226 = arith.constant 4 : i32
      %add3A_227 = arith.addi %mul3A_187, %add3A_226 : i32
      %dma_start3A_228 = arith.constant 0 : i32
      %dma_start3A_229 = tpu.memref_slice %arg5[%add3A_227, %dma_start3A_228] : memref<50x128xi32, #tpu.memory_space<vmem>> -> memref<1x128xi32, #tpu.memory_space<vmem>>
      %dma_start3A_230 = tpu.memref_squeeze %dma_start3A_229 : memref<1x128xi32, #tpu.memory_space<vmem>> -> memref<128xi32, #tpu.memory_space<vmem>>
      %dma_start3A_231 = arith.constant 0 : i32
      %dma_start3A_232 = arith.constant 0 : i32
      %dma_start3A_233 = tpu.memref_slice %arg2[%dma_start3A_231, %dma_start3A_232] : memref<100000x128xf32, #tpu.memory_space<hbm>> -> memref<100000x128xf32, #tpu.memory_space<hbm>>
      tpu.enqueue_indirect_dma source(%dma_start3A_233 : memref<100000x128xf32, #tpu.memory_space<hbm>>) target(%arg6 : memref<128x128xf32, #tpu.memory_space<vmem>>) offsets(%dma_start3A_230 : memref<128xi32, #tpu.memory_space<vmem>>) semaphore(%arg11 : memref<!tpu.dma_semaphore, #tpu.memory_space<semaphore_mem>>)
      %add3A_234 = arith.constant 1 : i32
      %add3A_235 = arith.addi %mul3A_187, %add3A_234 : i32
      %dma_wait3A_236 = arith.constant 0 : i32
      %dma_wait3A_237 = tpu.memref_slice %arg4[%add3A_235, %mul3A_2, %dma_wait3A_236] : memref<50x4096x128xf32, #tpu.memory_space<hbm>> -> memref<1x128x128xf32, #tpu.memory_space<hbm>>
      %dma_wait3A_238 = tpu.memref_squeeze %dma_wait3A_237 : memref<1x128x128xf32, #tpu.memory_space<hbm>> -> memref<128x128xf32, #tpu.memory_space<hbm>>
      %dma_wait3A_239 = arith.constant 0 : i32
      %dma_wait3A_240 = tpu.memref_slice %arg4[%add3A_235, %mul3A_2, %dma_wait3A_239] : memref<50x4096x128xf32, #tpu.memory_space<hbm>> -> memref<1x128x128xf32, #tpu.memory_space<hbm>>
      %dma_wait3A_241 = tpu.memref_squeeze %dma_wait3A_240 : memref<1x128x128xf32, #tpu.memory_space<hbm>> -> memref<128x128xf32, #tpu.memory_space<hbm>>
      tpu.wait_dma2 semaphore(%arg16 : memref<!tpu.dma_semaphore, #tpu.memory_space<semaphore_mem>>) src(%arg7 : memref<128x128xf32, #tpu.memory_space<vmem>>) dst(%dma_wait3A_241 : memref<128x128xf32, #tpu.memory_space<hbm>>)
      %add3A_242 = arith.constant 5 : i32
      %add3A_243 = arith.addi %mul3A_187, %add3A_242 : i32
      %dma_start3A_244 = arith.constant 0 : i32
      %dma_start3A_245 = tpu.memref_slice %arg5[%add3A_243, %dma_start3A_244] : memref<50x128xi32, #tpu.memory_space<vmem>> -> memref<1x128xi32, #tpu.memory_space<vmem>>
      %dma_start3A_246 = tpu.memref_squeeze %dma_start3A_245 : memref<1x128xi32, #tpu.memory_space<vmem>> -> memref<128xi32, #tpu.memory_space<vmem>>
      %dma_start3A_247 = arith.constant 0 : i32
      %dma_start3A_248 = arith.constant 0 : i32
      %dma_start3A_249 = tpu.memref_slice %arg2[%dma_start3A_247, %dma_start3A_248] : memref<100000x128xf32, #tpu.memory_space<hbm>> -> memref<100000x128xf32, #tpu.memory_space<hbm>>
      tpu.enqueue_indirect_dma source(%dma_start3A_249 : memref<100000x128xf32, #tpu.memory_space<hbm>>) target(%arg7 : memref<128x128xf32, #tpu.memory_space<vmem>>) offsets(%dma_start3A_246 : memref<128xi32, #tpu.memory_space<vmem>>) semaphore(%arg12 : memref<!tpu.dma_semaphore, #tpu.memory_space<semaphore_mem>>)
      %add3A_250 = arith.constant 4 : i32
      %add3A_251 = arith.addi %mul3A_187, %add3A_250 : i32
      %dma_wait3A_252 = arith.constant 0 : i32
      %dma_wait3A_253 = tpu.memref_slice %arg5[%add3A_251, %dma_wait3A_252] : memref<50x128xi32, #tpu.memory_space<vmem>> -> memref<1x128xi32, #tpu.memory_space<vmem>>
      %dma_wait3A_254 = tpu.memref_squeeze %dma_wait3A_253 : memref<1x128xi32, #tpu.memory_space<vmem>> -> memref<128xi32, #tpu.memory_space<vmem>>
      %dma_wait3A_255 = arith.constant 0 : i32
      %dma_wait3A_256 = arith.constant 0 : i32
      %dma_wait3A_257 = tpu.memref_slice %arg2[%dma_wait3A_255, %dma_wait3A_256] : memref<100000x128xf32, #tpu.memory_space<hbm>> -> memref<100000x128xf32, #tpu.memory_space<hbm>>
      tpu.wait_indirect_dma semaphore(%arg11 : memref<!tpu.dma_semaphore, #tpu.memory_space<semaphore_mem>>) src(%dma_wait3A_257 : memref<100000x128xf32, #tpu.memory_space<hbm>>) dst(%arg6 : memref<128x128xf32, #tpu.memory_space<vmem>>)
      %add3A_258 = arith.constant 4 : i32
      %add3A_259 = arith.addi %mul3A_187, %add3A_258 : i32
      %dma_start3A_260 = arith.constant 0 : i32
      %dma_start3A_261 = tpu.memref_slice %arg4[%add3A_259, %mul3A_2, %dma_start3A_260] : memref<50x4096x128xf32, #tpu.memory_space<hbm>> -> memref<1x128x128xf32, #tpu.memory_space<hbm>>
      %dma_start3A_262 = tpu.memref_squeeze %dma_start3A_261 : memref<1x128x128xf32, #tpu.memory_space<hbm>> -> memref<128x128xf32, #tpu.memory_space<hbm>>
      %dma_start3A_263 = arith.constant 0 : i32
      %dma_start3A_264 = tpu.memref_slice %arg4[%add3A_259, %mul3A_2, %dma_start3A_263] : memref<50x4096x128xf32, #tpu.memory_space<hbm>> -> memref<1x128x128xf32, #tpu.memory_space<hbm>>
      %dma_start3A_265 = tpu.memref_squeeze %dma_start3A_264 : memref<1x128x128xf32, #tpu.memory_space<hbm>> -> memref<128x128xf32, #tpu.memory_space<hbm>>
      tpu.enqueue_dma source(%arg6 : memref<128x128xf32, #tpu.memory_space<vmem>>) target(%dma_start3A_265 : memref<128x128xf32, #tpu.memory_space<hbm>>) target_semaphore(%arg15 : memref<!tpu.dma_semaphore, #tpu.memory_space<semaphore_mem>>)
      %add3A_266 = arith.constant 5 : i32
      %add3A_267 = arith.addi %mul3A_187, %add3A_266 : i32
      %dma_wait3A_268 = arith.constant 0 : i32
      %dma_wait3A_269 = tpu.memref_slice %arg5[%add3A_267, %dma_wait3A_268] : memref<50x128xi32, #tpu.memory_space<vmem>> -> memref<1x128xi32, #tpu.memory_space<vmem>>
      %dma_wait3A_270 = tpu.memref_squeeze %dma_wait3A_269 : memref<1x128xi32, #tpu.memory_space<vmem>> -> memref<128xi32, #tpu.memory_space<vmem>>
      %dma_wait3A_271 = arith.constant 0 : i32
      %dma_wait3A_272 = arith.constant 0 : i32
      %dma_wait3A_273 = tpu.memref_slice %arg2[%dma_wait3A_271, %dma_wait3A_272] : memref<100000x128xf32, #tpu.memory_space<hbm>> -> memref<100000x128xf32, #tpu.memory_space<hbm>>
      tpu.wait_indirect_dma semaphore(%arg12 : memref<!tpu.dma_semaphore, #tpu.memory_space<semaphore_mem>>) src(%dma_wait3A_273 : memref<100000x128xf32, #tpu.memory_space<hbm>>) dst(%arg7 : memref<128x128xf32, #tpu.memory_space<vmem>>)
      %add3A_274 = arith.constant 5 : i32
      %add3A_275 = arith.addi %mul3A_187, %add3A_274 : i32
      %dma_start3A_276 = arith.constant 0 : i32
      %dma_start3A_277 = tpu.memref_slice %arg4[%add3A_275, %mul3A_2, %dma_start3A_276] : memref<50x4096x128xf32, #tpu.memory_space<hbm>> -> memref<1x128x128xf32, #tpu.memory_space<hbm>>
      %dma_start3A_278 = tpu.memref_squeeze %dma_start3A_277 : memref<1x128x128xf32, #tpu.memory_space<hbm>> -> memref<128x128xf32, #tpu.memory_space<hbm>>
      %dma_start3A_279 = arith.constant 0 : i32
      %dma_start3A_280 = tpu.memref_slice %arg4[%add3A_275, %mul3A_2, %dma_start3A_279] : memref<50x4096x128xf32, #tpu.memory_space<hbm>> -> memref<1x128x128xf32, #tpu.memory_space<hbm>>
      %dma_start3A_281 = tpu.memref_squeeze %dma_start3A_280 : memref<1x128x128xf32, #tpu.memory_space<hbm>> -> memref<128x128xf32, #tpu.memory_space<hbm>>
      tpu.enqueue_dma source(%arg7 : memref<128x128xf32, #tpu.memory_space<vmem>>) target(%dma_start3A_281 : memref<128x128xf32, #tpu.memory_space<hbm>>) target_semaphore(%arg16 : memref<!tpu.dma_semaphore, #tpu.memory_space<semaphore_mem>>)
      %add3A_282 = arith.constant 2 : i32
      %add3A_283 = arith.addi %mul3A_187, %add3A_282 : i32
      %dma_wait3A_284 = arith.constant 0 : i32
      %dma_wait3A_285 = tpu.memref_slice %arg4[%add3A_283, %mul3A_2, %dma_wait3A_284] : memref<50x4096x128xf32, #tpu.memory_space<hbm>> -> memref<1x128x128xf32, #tpu.memory_space<hbm>>
      %dma_wait3A_286 = tpu.memref_squeeze %dma_wait3A_285 : memref<1x128x128xf32, #tpu.memory_space<hbm>> -> memref<128x128xf32, #tpu.memory_space<hbm>>
      %dma_wait3A_287 = arith.constant 0 : i32
      %dma_wait3A_288 = tpu.memref_slice %arg4[%add3A_283, %mul3A_2, %dma_wait3A_287] : memref<50x4096x128xf32, #tpu.memory_space<hbm>> -> memref<1x128x128xf32, #tpu.memory_space<hbm>>
      %dma_wait3A_289 = tpu.memref_squeeze %dma_wait3A_288 : memref<1x128x128xf32, #tpu.memory_space<hbm>> -> memref<128x128xf32, #tpu.memory_space<hbm>>
      tpu.wait_dma2 semaphore(%arg17 : memref<!tpu.dma_semaphore, #tpu.memory_space<semaphore_mem>>) src(%arg8 : memref<128x128xf32, #tpu.memory_space<vmem>>) dst(%dma_wait3A_289 : memref<128x128xf32, #tpu.memory_space<hbm>>)
      %add3A_290 = arith.constant 6 : i32
      %add3A_291 = arith.addi %mul3A_187, %add3A_290 : i32
      %dma_start3A_292 = arith.constant 0 : i32
      %dma_start3A_293 = tpu.memref_slice %arg5[%add3A_291, %dma_start3A_292] : memref<50x128xi32, #tpu.memory_space<vmem>> -> memref<1x128xi32, #tpu.memory_space<vmem>>
      %dma_start3A_294 = tpu.memref_squeeze %dma_start3A_293 : memref<1x128xi32, #tpu.memory_space<vmem>> -> memref<128xi32, #tpu.memory_space<vmem>>
      %dma_start3A_295 = arith.constant 0 : i32
      %dma_start3A_296 = arith.constant 0 : i32
      %dma_start3A_297 = tpu.memref_slice %arg2[%dma_start3A_295, %dma_start3A_296] : memref<100000x128xf32, #tpu.memory_space<hbm>> -> memref<100000x128xf32, #tpu.memory_space<hbm>>
      tpu.enqueue_indirect_dma source(%dma_start3A_297 : memref<100000x128xf32, #tpu.memory_space<hbm>>) target(%arg8 : memref<128x128xf32, #tpu.memory_space<vmem>>) offsets(%dma_start3A_294 : memref<128xi32, #tpu.memory_space<vmem>>) semaphore(%arg13 : memref<!tpu.dma_semaphore, #tpu.memory_space<semaphore_mem>>)
      %add3A_298 = arith.constant 3 : i32
      %add3A_299 = arith.addi %mul3A_187, %add3A_298 : i32
      %dma_wait3A_300 = arith.constant 0 : i32
      %dma_wait3A_301 = tpu.memref_slice %arg4[%add3A_299, %mul3A_2, %dma_wait3A_300] : memref<50x4096x128xf32, #tpu.memory_space<hbm>> -> memref<1x128x128xf32, #tpu.memory_space<hbm>>
      %dma_wait3A_302 = tpu.memref_squeeze %dma_wait3A_301 : memref<1x128x128xf32, #tpu.memory_space<hbm>> -> memref<128x128xf32, #tpu.memory_space<hbm>>
      %dma_wait3A_303 = arith.constant 0 : i32
      %dma_wait3A_304 = tpu.memref_slice %arg4[%add3A_299, %mul3A_2, %dma_wait3A_303] : memref<50x4096x128xf32, #tpu.memory_space<hbm>> -> memref<1x128x128xf32, #tpu.memory_space<hbm>>
      %dma_wait3A_305 = tpu.memref_squeeze %dma_wait3A_304 : memref<1x128x128xf32, #tpu.memory_space<hbm>> -> memref<128x128xf32, #tpu.memory_space<hbm>>
      tpu.wait_dma2 semaphore(%arg18 : memref<!tpu.dma_semaphore, #tpu.memory_space<semaphore_mem>>) src(%arg9 : memref<128x128xf32, #tpu.memory_space<vmem>>) dst(%dma_wait3A_305 : memref<128x128xf32, #tpu.memory_space<hbm>>)
      %add3A_306 = arith.constant 7 : i32
      %add3A_307 = arith.addi %mul3A_187, %add3A_306 : i32
      %dma_start3A_308 = arith.constant 0 : i32
      %dma_start3A_309 = tpu.memref_slice %arg5[%add3A_307, %dma_start3A_308] : memref<50x128xi32, #tpu.memory_space<vmem>> -> memref<1x128xi32, #tpu.memory_space<vmem>>
      %dma_start3A_310 = tpu.memref_squeeze %dma_start3A_309 : memref<1x128xi32, #tpu.memory_space<vmem>> -> memref<128xi32, #tpu.memory_space<vmem>>
      %dma_start3A_311 = arith.constant 0 : i32
      %dma_start3A_312 = arith.constant 0 : i32
      %dma_start3A_313 = tpu.memref_slice %arg2[%dma_start3A_311, %dma_start3A_312] : memref<100000x128xf32, #tpu.memory_space<hbm>> -> memref<100000x128xf32, #tpu.memory_space<hbm>>
      tpu.enqueue_indirect_dma source(%dma_start3A_313 : memref<100000x128xf32, #tpu.memory_space<hbm>>) target(%arg9 : memref<128x128xf32, #tpu.memory_space<vmem>>) offsets(%dma_start3A_310 : memref<128xi32, #tpu.memory_space<vmem>>) semaphore(%arg14 : memref<!tpu.dma_semaphore, #tpu.memory_space<semaphore_mem>>)
    }
    %scan3A_68 = arith.constant 11 : i32
    %dma_wait3A_69 = arith.constant 46 : i32
    %dma_wait3A_70 = arith.constant 0 : i32
    %dma_wait3A_71 = tpu.memref_slice %arg5[%dma_wait3A_69, %dma_wait3A_70] : memref<50x128xi32, #tpu.memory_space<vmem>> -> memref<1x128xi32, #tpu.memory_space<vmem>>
    %dma_wait3A_72 = tpu.memref_squeeze %dma_wait3A_71 : memref<1x128xi32, #tpu.memory_space<vmem>> -> memref<128xi32, #tpu.memory_space<vmem>>
    %dma_wait3A_73 = arith.constant 0 : i32
    %dma_wait3A_74 = arith.constant 0 : i32
    %dma_wait3A_75 = tpu.memref_slice %arg2[%dma_wait3A_73, %dma_wait3A_74] : memref<100000x128xf32, #tpu.memory_space<hbm>> -> memref<100000x128xf32, #tpu.memory_space<hbm>>
    tpu.wait_indirect_dma semaphore(%arg13 : memref<!tpu.dma_semaphore, #tpu.memory_space<semaphore_mem>>) src(%dma_wait3A_75 : memref<100000x128xf32, #tpu.memory_space<hbm>>) dst(%arg8 : memref<128x128xf32, #tpu.memory_space<vmem>>)
    %dma_start3A_76 = arith.constant 46 : i32
    %dma_start3A_77 = arith.constant 0 : i32
    %dma_start3A_78 = tpu.memref_slice %arg4[%dma_start3A_76, %mul3A_2, %dma_start3A_77] : memref<50x4096x128xf32, #tpu.memory_space<hbm>> -> memref<1x128x128xf32, #tpu.memory_space<hbm>>
    %dma_start3A_79 = tpu.memref_squeeze %dma_start3A_78 : memref<1x128x128xf32, #tpu.memory_space<hbm>> -> memref<128x128xf32, #tpu.memory_space<hbm>>
    %dma_start3A_80 = arith.constant 0 : i32
    %dma_start3A_81 = tpu.memref_slice %arg4[%dma_start3A_76, %mul3A_2, %dma_start3A_80] : memref<50x4096x128xf32, #tpu.memory_space<hbm>> -> memref<1x128x128xf32, #tpu.memory_space<hbm>>
    %dma_start3A_82 = tpu.memref_squeeze %dma_start3A_81 : memref<1x128x128xf32, #tpu.memory_space<hbm>> -> memref<128x128xf32, #tpu.memory_space<hbm>>
    tpu.enqueue_dma source(%arg8 : memref<128x128xf32, #tpu.memory_space<vmem>>) target(%dma_start3A_82 : memref<128x128xf32, #tpu.memory_space<hbm>>) target_semaphore(%arg17 : memref<!tpu.dma_semaphore, #tpu.memory_space<semaphore_mem>>)
    %dma_wait3A_83 = arith.constant 47 : i32
    %dma_wait3A_84 = arith.constant 0 : i32
    %dma_wait3A_85 = tpu.memref_slice %arg5[%dma_wait3A_83, %dma_wait3A_84] : memref<50x128xi32, #tpu.memory_space<vmem>> -> memref<1x128xi32, #tpu.memory_space<vmem>>
    %dma_wait3A_86 = tpu.memref_squeeze %dma_wait3A_85 : memref<1x128xi32, #tpu.memory_space<vmem>> -> memref<128xi32, #tpu.memory_space<vmem>>
    %dma_wait3A_87 = arith.constant 0 : i32
    %dma_wait3A_88 = arith.constant 0 : i32
    %dma_wait3A_89 = tpu.memref_slice %arg2[%dma_wait3A_87, %dma_wait3A_88] : memref<100000x128xf32, #tpu.memory_space<hbm>> -> memref<100000x128xf32, #tpu.memory_space<hbm>>
    tpu.wait_indirect_dma semaphore(%arg14 : memref<!tpu.dma_semaphore, #tpu.memory_space<semaphore_mem>>) src(%dma_wait3A_89 : memref<100000x128xf32, #tpu.memory_space<hbm>>) dst(%arg9 : memref<128x128xf32, #tpu.memory_space<vmem>>)
    %dma_start3A_90 = arith.constant 47 : i32
    %dma_start3A_91 = arith.constant 0 : i32
    %dma_start3A_92 = tpu.memref_slice %arg4[%dma_start3A_90, %mul3A_2, %dma_start3A_91] : memref<50x4096x128xf32, #tpu.memory_space<hbm>> -> memref<1x128x128xf32, #tpu.memory_space<hbm>>
    %dma_start3A_93 = tpu.memref_squeeze %dma_start3A_92 : memref<1x128x128xf32, #tpu.memory_space<hbm>> -> memref<128x128xf32, #tpu.memory_space<hbm>>
    %dma_start3A_94 = arith.constant 0 : i32
    %dma_start3A_95 = tpu.memref_slice %arg4[%dma_start3A_90, %mul3A_2, %dma_start3A_94] : memref<50x4096x128xf32, #tpu.memory_space<hbm>> -> memref<1x128x128xf32, #tpu.memory_space<hbm>>
    %dma_start3A_96 = tpu.memref_squeeze %dma_start3A_95 : memref<1x128x128xf32, #tpu.memory_space<hbm>> -> memref<128x128xf32, #tpu.memory_space<hbm>>
    tpu.enqueue_dma source(%arg9 : memref<128x128xf32, #tpu.memory_space<vmem>>) target(%dma_start3A_96 : memref<128x128xf32, #tpu.memory_space<hbm>>) target_semaphore(%arg18 : memref<!tpu.dma_semaphore, #tpu.memory_space<semaphore_mem>>)
    %dma_wait3A_97 = arith.constant 44 : i32
    %dma_wait3A_98 = arith.constant 0 : i32
    %dma_wait3A_99 = tpu.memref_slice %arg4[%dma_wait3A_97, %mul3A_2, %dma_wait3A_98] : memref<50x4096x128xf32, #tpu.memory_space<hbm>> -> memref<1x128x128xf32, #tpu.memory_space<hbm>>
    %dma_wait3A_100 = tpu.memref_squeeze %dma_wait3A_99 : memref<1x128x128xf32, #tpu.memory_space<hbm>> -> memref<128x128xf32, #tpu.memory_space<hbm>>
    %dma_wait3A_101 = arith.constant 0 : i32
    %dma_wait3A_102 = tpu.memref_slice %arg4[%dma_wait3A_97, %mul3A_2, %dma_wait3A_101] : memref<50x4096x128xf32, #tpu.memory_space<hbm>> -> memref<1x128x128xf32, #tpu.memory_space<hbm>>
    %dma_wait3A_103 = tpu.memref_squeeze %dma_wait3A_102 : memref<1x128x128xf32, #tpu.memory_space<hbm>> -> memref<128x128xf32, #tpu.memory_space<hbm>>
    tpu.wait_dma2 semaphore(%arg15 : memref<!tpu.dma_semaphore, #tpu.memory_space<semaphore_mem>>) src(%arg6 : memref<128x128xf32, #tpu.memory_space<vmem>>) dst(%dma_wait3A_103 : memref<128x128xf32, #tpu.memory_space<hbm>>)
    %dma_start3A_104 = arith.constant 48 : i32
    %dma_start3A_105 = arith.constant 0 : i32
    %dma_start3A_106 = tpu.memref_slice %arg5[%dma_start3A_104, %dma_start3A_105] : memref<50x128xi32, #tpu.memory_space<vmem>> -> memref<1x128xi32, #tpu.memory_space<vmem>>
    %dma_start3A_107 = tpu.memref_squeeze %dma_start3A_106 : memref<1x128xi32, #tpu.memory_space<vmem>> -> memref<128xi32, #tpu.memory_space<vmem>>
    %dma_start3A_108 = arith.constant 0 : i32
    %dma_start3A_109 = arith.constant 0 : i32
    %dma_start3A_110 = tpu.memref_slice %arg2[%dma_start3A_108, %dma_start3A_109] : memref<100000x128xf32, #tpu.memory_space<hbm>> -> memref<100000x128xf32, #tpu.memory_space<hbm>>
    tpu.enqueue_indirect_dma source(%dma_start3A_110 : memref<100000x128xf32, #tpu.memory_space<hbm>>) target(%arg6 : memref<128x128xf32, #tpu.memory_space<vmem>>) offsets(%dma_start3A_107 : memref<128xi32, #tpu.memory_space<vmem>>) semaphore(%arg11 : memref<!tpu.dma_semaphore, #tpu.memory_space<semaphore_mem>>)
    %dma_wait3A_111 = arith.constant 45 : i32
    %dma_wait3A_112 = arith.constant 0 : i32
    %dma_wait3A_113 = tpu.memref_slice %arg4[%dma_wait3A_111, %mul3A_2, %dma_wait3A_112] : memref<50x4096x128xf32, #tpu.memory_space<hbm>> -> memref<1x128x128xf32, #tpu.memory_space<hbm>>
    %dma_wait3A_114 = tpu.memref_squeeze %dma_wait3A_113 : memref<1x128x128xf32, #tpu.memory_space<hbm>> -> memref<128x128xf32, #tpu.memory_space<hbm>>
    %dma_wait3A_115 = arith.constant 0 : i32
    %dma_wait3A_116 = tpu.memref_slice %arg4[%dma_wait3A_111, %mul3A_2, %dma_wait3A_115] : memref<50x4096x128xf32, #tpu.memory_space<hbm>> -> memref<1x128x128xf32, #tpu.memory_space<hbm>>
    %dma_wait3A_117 = tpu.memref_squeeze %dma_wait3A_116 : memref<1x128x128xf32, #tpu.memory_space<hbm>> -> memref<128x128xf32, #tpu.memory_space<hbm>>
    tpu.wait_dma2 semaphore(%arg16 : memref<!tpu.dma_semaphore, #tpu.memory_space<semaphore_mem>>) src(%arg7 : memref<128x128xf32, #tpu.memory_space<vmem>>) dst(%dma_wait3A_117 : memref<128x128xf32, #tpu.memory_space<hbm>>)
    %dma_start3A_118 = arith.constant 49 : i32
    %dma_start3A_119 = arith.constant 0 : i32
    %dma_start3A_120 = tpu.memref_slice %arg5[%dma_start3A_118, %dma_start3A_119] : memref<50x128xi32, #tpu.memory_space<vmem>> -> memref<1x128xi32, #tpu.memory_space<vmem>>
    %dma_start3A_121 = tpu.memref_squeeze %dma_start3A_120 : memref<1x128xi32, #tpu.memory_space<vmem>> -> memref<128xi32, #tpu.memory_space<vmem>>
    %dma_start3A_122 = arith.constant 0 : i32
    %dma_start3A_123 = arith.constant 0 : i32
    %dma_start3A_124 = tpu.memref_slice %arg2[%dma_start3A_122, %dma_start3A_123] : memref<100000x128xf32, #tpu.memory_space<hbm>> -> memref<100000x128xf32, #tpu.memory_space<hbm>>
    tpu.enqueue_indirect_dma source(%dma_start3A_124 : memref<100000x128xf32, #tpu.memory_space<hbm>>) target(%arg7 : memref<128x128xf32, #tpu.memory_space<vmem>>) offsets(%dma_start3A_121 : memref<128xi32, #tpu.memory_space<vmem>>) semaphore(%arg12 : memref<!tpu.dma_semaphore, #tpu.memory_space<semaphore_mem>>)
    %dma_wait3A_125 = arith.constant 48 : i32
    %dma_wait3A_126 = arith.constant 0 : i32
    %dma_wait3A_127 = tpu.memref_slice %arg5[%dma_wait3A_125, %dma_wait3A_126] : memref<50x128xi32, #tpu.memory_space<vmem>> -> memref<1x128xi32, #tpu.memory_space<vmem>>
    %dma_wait3A_128 = tpu.memref_squeeze %dma_wait3A_127 : memref<1x128xi32, #tpu.memory_space<vmem>> -> memref<128xi32, #tpu.memory_space<vmem>>
    %dma_wait3A_129 = arith.constant 0 : i32
    %dma_wait3A_130 = arith.constant 0 : i32
    %dma_wait3A_131 = tpu.memref_slice %arg2[%dma_wait3A_129, %dma_wait3A_130] : memref<100000x128xf32, #tpu.memory_space<hbm>> -> memref<100000x128xf32, #tpu.memory_space<hbm>>
    tpu.wait_indirect_dma semaphore(%arg11 : memref<!tpu.dma_semaphore, #tpu.memory_space<semaphore_mem>>) src(%dma_wait3A_131 : memref<100000x128xf32, #tpu.memory_space<hbm>>) dst(%arg6 : memref<128x128xf32, #tpu.memory_space<vmem>>)
    %dma_start3A_132 = arith.constant 48 : i32
    %dma_start3A_133 = arith.constant 0 : i32
    %dma_start3A_134 = tpu.memref_slice %arg4[%dma_start3A_132, %mul3A_2, %dma_start3A_133] : memref<50x4096x128xf32, #tpu.memory_space<hbm>> -> memref<1x128x128xf32, #tpu.memory_space<hbm>>
    %dma_start3A_135 = tpu.memref_squeeze %dma_start3A_134 : memref<1x128x128xf32, #tpu.memory_space<hbm>> -> memref<128x128xf32, #tpu.memory_space<hbm>>
    %dma_start3A_136 = arith.constant 0 : i32
    %dma_start3A_137 = tpu.memref_slice %arg4[%dma_start3A_132, %mul3A_2, %dma_start3A_136] : memref<50x4096x128xf32, #tpu.memory_space<hbm>> -> memref<1x128x128xf32, #tpu.memory_space<hbm>>
    %dma_start3A_138 = tpu.memref_squeeze %dma_start3A_137 : memref<1x128x128xf32, #tpu.memory_space<hbm>> -> memref<128x128xf32, #tpu.memory_space<hbm>>
    tpu.enqueue_dma source(%arg6 : memref<128x128xf32, #tpu.memory_space<vmem>>) target(%dma_start3A_138 : memref<128x128xf32, #tpu.memory_space<hbm>>) target_semaphore(%arg15 : memref<!tpu.dma_semaphore, #tpu.memory_space<semaphore_mem>>)
    %dma_wait3A_139 = arith.constant 49 : i32
    %dma_wait3A_140 = arith.constant 0 : i32
    %dma_wait3A_141 = tpu.memref_slice %arg5[%dma_wait3A_139, %dma_wait3A_140] : memref<50x128xi32, #tpu.memory_space<vmem>> -> memref<1x128xi32, #tpu.memory_space<vmem>>
    %dma_wait3A_142 = tpu.memref_squeeze %dma_wait3A_141 : memref<1x128xi32, #tpu.memory_space<vmem>> -> memref<128xi32, #tpu.memory_space<vmem>>
    %dma_wait3A_143 = arith.constant 0 : i32
    %dma_wait3A_144 = arith.constant 0 : i32
    %dma_wait3A_145 = tpu.memref_slice %arg2[%dma_wait3A_143, %dma_wait3A_144] : memref<100000x128xf32, #tpu.memory_space<hbm>> -> memref<100000x128xf32, #tpu.memory_space<hbm>>
    tpu.wait_indirect_dma semaphore(%arg12 : memref<!tpu.dma_semaphore, #tpu.memory_space<semaphore_mem>>) src(%dma_wait3A_145 : memref<100000x128xf32, #tpu.memory_space<hbm>>) dst(%arg7 : memref<128x128xf32, #tpu.memory_space<vmem>>)
    %dma_start3A_146 = arith.constant 49 : i32
    %dma_start3A_147 = arith.constant 0 : i32
    %dma_start3A_148 = tpu.memref_slice %arg4[%dma_start3A_146, %mul3A_2, %dma_start3A_147] : memref<50x4096x128xf32, #tpu.memory_space<hbm>> -> memref<1x128x128xf32, #tpu.memory_space<hbm>>
    %dma_start3A_149 = tpu.memref_squeeze %dma_start3A_148 : memref<1x128x128xf32, #tpu.memory_space<hbm>> -> memref<128x128xf32, #tpu.memory_space<hbm>>
    %dma_start3A_150 = arith.constant 0 : i32
    %dma_start3A_151 = tpu.memref_slice %arg4[%dma_start3A_146, %mul3A_2, %dma_start3A_150] : memref<50x4096x128xf32, #tpu.memory_space<hbm>> -> memref<1x128x128xf32, #tpu.memory_space<hbm>>
    %dma_start3A_152 = tpu.memref_squeeze %dma_start3A_151 : memref<1x128x128xf32, #tpu.memory_space<hbm>> -> memref<128x128xf32, #tpu.memory_space<hbm>>
    tpu.enqueue_dma source(%arg7 : memref<128x128xf32, #tpu.memory_space<vmem>>) target(%dma_start3A_152 : memref<128x128xf32, #tpu.memory_space<hbm>>) target_semaphore(%arg16 : memref<!tpu.dma_semaphore, #tpu.memory_space<semaphore_mem>>)
    %dma_wait3A_153 = arith.constant 46 : i32
    %dma_wait3A_154 = arith.constant 0 : i32
    %dma_wait3A_155 = tpu.memref_slice %arg4[%dma_wait3A_153, %mul3A_2, %dma_wait3A_154] : memref<50x4096x128xf32, #tpu.memory_space<hbm>> -> memref<1x128x128xf32, #tpu.memory_space<hbm>>
    %dma_wait3A_156 = tpu.memref_squeeze %dma_wait3A_155 : memref<1x128x128xf32, #tpu.memory_space<hbm>> -> memref<128x128xf32, #tpu.memory_space<hbm>>
    %dma_wait3A_157 = arith.constant 0 : i32
    %dma_wait3A_158 = tpu.memref_slice %arg4[%dma_wait3A_153, %mul3A_2, %dma_wait3A_157] : memref<50x4096x128xf32, #tpu.memory_space<hbm>> -> memref<1x128x128xf32, #tpu.memory_space<hbm>>
    %dma_wait3A_159 = tpu.memref_squeeze %dma_wait3A_158 : memref<1x128x128xf32, #tpu.memory_space<hbm>> -> memref<128x128xf32, #tpu.memory_space<hbm>>
    tpu.wait_dma2 semaphore(%arg17 : memref<!tpu.dma_semaphore, #tpu.memory_space<semaphore_mem>>) src(%arg8 : memref<128x128xf32, #tpu.memory_space<vmem>>) dst(%dma_wait3A_159 : memref<128x128xf32, #tpu.memory_space<hbm>>)
    %dma_wait3A_160 = arith.constant 47 : i32
    %dma_wait3A_161 = arith.constant 0 : i32
    %dma_wait3A_162 = tpu.memref_slice %arg4[%dma_wait3A_160, %mul3A_2, %dma_wait3A_161] : memref<50x4096x128xf32, #tpu.memory_space<hbm>> -> memref<1x128x128xf32, #tpu.memory_space<hbm>>
    %dma_wait3A_163 = tpu.memref_squeeze %dma_wait3A_162 : memref<1x128x128xf32, #tpu.memory_space<hbm>> -> memref<128x128xf32, #tpu.memory_space<hbm>>
    %dma_wait3A_164 = arith.constant 0 : i32
    %dma_wait3A_165 = tpu.memref_slice %arg4[%dma_wait3A_160, %mul3A_2, %dma_wait3A_164] : memref<50x4096x128xf32, #tpu.memory_space<hbm>> -> memref<1x128x128xf32, #tpu.memory_space<hbm>>
    %dma_wait3A_166 = tpu.memref_squeeze %dma_wait3A_165 : memref<1x128x128xf32, #tpu.memory_space<hbm>> -> memref<128x128xf32, #tpu.memory_space<hbm>>
    tpu.wait_dma2 semaphore(%arg18 : memref<!tpu.dma_semaphore, #tpu.memory_space<semaphore_mem>>) src(%arg9 : memref<128x128xf32, #tpu.memory_space<vmem>>) dst(%dma_wait3A_166 : memref<128x128xf32, #tpu.memory_space<hbm>>)
    %dma_wait3A_167 = arith.constant 48 : i32
    %dma_wait3A_168 = arith.constant 0 : i32
    %dma_wait3A_169 = tpu.memref_slice %arg4[%dma_wait3A_167, %mul3A_2, %dma_wait3A_168] : memref<50x4096x128xf32, #tpu.memory_space<hbm>> -> memref<1x128x128xf32, #tpu.memory_space<hbm>>
    %dma_wait3A_170 = tpu.memref_squeeze %dma_wait3A_169 : memref<1x128x128xf32, #tpu.memory_space<hbm>> -> memref<128x128xf32, #tpu.memory_space<hbm>>
    %dma_wait3A_171 = arith.constant 0 : i32
    %dma_wait3A_172 = tpu.memref_slice %arg4[%dma_wait3A_167, %mul3A_2, %dma_wait3A_171] : memref<50x4096x128xf32, #tpu.memory_space<hbm>> -> memref<1x128x128xf32, #tpu.memory_space<hbm>>
    %dma_wait3A_173 = tpu.memref_squeeze %dma_wait3A_172 : memref<1x128x128xf32, #tpu.memory_space<hbm>> -> memref<128x128xf32, #tpu.memory_space<hbm>>
    tpu.wait_dma2 semaphore(%arg15 : memref<!tpu.dma_semaphore, #tpu.memory_space<semaphore_mem>>) src(%arg6 : memref<128x128xf32, #tpu.memory_space<vmem>>) dst(%dma_wait3A_173 : memref<128x128xf32, #tpu.memory_space<hbm>>)
    %dma_wait3A_174 = arith.constant 49 : i32
    %dma_wait3A_175 = arith.constant 0 : i32
    %dma_wait3A_176 = tpu.memref_slice %arg4[%dma_wait3A_174, %mul3A_2, %dma_wait3A_175] : memref<50x4096x128xf32, #tpu.memory_space<hbm>> -> memref<1x128x128xf32, #tpu.memory_space<hbm>>
    %dma_wait3A_177 = tpu.memref_squeeze %dma_wait3A_176 : memref<1x128x128xf32, #tpu.memory_space<hbm>> -> memref<128x128xf32, #tpu.memory_space<hbm>>
    %dma_wait3A_178 = arith.constant 0 : i32
    %dma_wait3A_179 = tpu.memref_slice %arg4[%dma_wait3A_174, %mul3A_2, %dma_wait3A_178] : memref<50x4096x128xf32, #tpu.memory_space<hbm>> -> memref<1x128x128xf32, #tpu.memory_space<hbm>>
    %dma_wait3A_180 = tpu.memref_squeeze %dma_wait3A_179 : memref<1x128x128xf32, #tpu.memory_space<hbm>> -> memref<128x128xf32, #tpu.memory_space<hbm>>
    tpu.wait_dma2 semaphore(%arg16 : memref<!tpu.dma_semaphore, #tpu.memory_space<semaphore_mem>>) src(%arg7 : memref<128x128xf32, #tpu.memory_space<vmem>>) dst(%dma_wait3A_180 : memref<128x128xf32, #tpu.memory_space<hbm>>)
    return
  }
}

</mosaic_0001>

<sc_bundles>
// kernel: kernel.3.cloned.1.call-start
scs
__scs_entry_jumppad:
0x0: {  	(pc) =	sbr.rel $0x88, $3  }
0x1: {  	(tag) =	ssettag $0x0;
	lr =	simm.s32 $0x1  }
0x2: {  	[smem:$0x3F9F] =	sst lr;
	_ =	strace $0xD0000000  }
0x3: {  	_ = 	snop  }
0x4: {  	_ = 	snop  }
0x5: {  	_ = 	snop  }
0x6: {  	_ = 	snop  }
0x7: {  	_ = 	snop  }
__scs_overlays_trampoline_lowered:
0x8: {  	[smem:$0x3FAE] =	sst s0  }
0x9: {  	[smem:$0x3FAF] =	sst s1  }
0xa: {  	[smem:$0x3FB0] =	sst s2  }
0xb: {  	[smem:$0x3FB1] =	sst s3  }
0xc: {  	[smem:$0x3FB2] =	sst s4  }
0xd: {  	[smem:$0x3FB3] =	sst s5  }
0xe: {  	[smem:$0x3FB4] =	sst s6  }
0xf: {  	[smem:$0x3FB5] =	sst s7  }
0x10: {  	[smem:$0x3FB6] =	sst s8  }
0x11: {  	[smem:$0x3FB7] =	sst s9;
	s0 =	simm.s32 @!p0 $0x0  }
0x12: {  	s1 =	sld [smem:$0x3F9D];
	s0 =	simm.s32 @p0 $0x1  }
0x13: {  	[smem:$0x3FB8] =	sst s0;
	s0 =	simm.s32 @!p1 $0x0  }
0x14: {  	s2 =	sld [smem:$0x3F9C];
	s0 =	simm.s32 @p1 $0x1  }
0x15: {  	[smem:$0x3FB9] =	sst s0;
	s0 =	simm.s32 @!p2 $0x0  }
0x16: {  	s3 =	sld [smem:$0x3FDB];
	s0 =	simm.s32 @p2 $0x1  }
0x17: {  	s4 =	simm.s32 $0x1BF5;
	[smem:$0x3FBB] =	sst s0  }
0x18: {  	s0 =	sld [smem:$0x3F9E];
	_ =	swait.ge [sflag:s4], $0x0  }
0x19: {  	s7 =	sld [smem:$0x3F9F]  }
0x1a: {  	s8 =	sadd.s32 $0xFFFFE003, lr  }
0x1b: {  	s9 =	sadd.s32 $0xFFFFFEF7, lr;
	s5 =	simm.s32 $0xFFFFFFFF;
	p2 =	slt.u32 s8, $0xFFFFF086  }
0x1c: {  	p1 =	slt.u32 s9, $0xF7A;
	s5 =	simm.s32 @!p2 $0x0  }
0x1d: {  	s5 =	simm.s32 @p1 $0x1;
	p0 =	seq.s32 s7, s2  }
0x1e: {  	s7 =	smul.u32 @!p0 $0xF7A, s2;
	p2 =	seq.s32 @!p0 s5, $0x0  }
0x1f: {  	s9 =	smul.u32 $0xF7A, s1;
	s8 =	simm.s32 @!p0 $0x1BF5;
	p2 =	por !p2, p0  }
0x20: {  	[sflag:s8] =	ssyncset.s32 @!p0 $0xFFFFF086;
	s6 =	sadd.s32 @!p0 s3, s7;
	s7 =	simm.s32 @!p0 $0x108  }
0x21: {  	s3 =	sadd.s32 s3, s9;
	s6 =	sadd.s32 @!p0 $0x88, s6;
	s7 =	simm.s32 @p2 $0x1082  }
0x22: {  	[simem:s7], [sflag:s8] =	dma.local @!p0 [hbm:s6], $0xF7A  }
0x23: {  	s9 =	sor.u32 $0xD0000000, s2;
	s6 =	simm.s32 $0x108;
	_ =	swait.ge @!p0 [sflag:s8], $0x0  }
0x24: {  	s3 =	sadd.s32 $0x88, s3;
	s6 =	simm.s32 @!p1 $0x1082;
	[sflag:s4] =	ssyncset.s32 $0xFFFFF086  }
0x25: {  	[simem:s6], [sflag:s4] =	dma.local [hbm:s3], $0xF7A  }
0x26: {  	[smem:$0x3F9F] =	sst s1;
	(tag) =	ssettag s2;
	_ =	strace s9  }
0x27: {  	s1 =	sld [smem:$0x3FAF]  }
0x28: {  	s2 =	sld [smem:$0x3FB0]  }
0x29: {  	s4 =	sld [smem:$0x3FB2]  }
0x2a: {  	p0 =	seq.s32 s5, $0x0;
	s5 =	sld [smem:$0x3FB3]  }
0x2b: {  	s6 =	sld [smem:$0x3FB4]  }
0x2c: {  	s7 =	sld [smem:$0x3FB5]  }
0x2d: {  	s3 =	simm.s32 $0x108;
	s8 =	sld [smem:$0x3FB6]  }
0x2e: {  	s3 =	simm.s32 @!p0 $0x1082;
	s9 =	sld [smem:$0x3FB7]  }
0x2f: {  	lr =	sadd.s32 s0, s3;
	s0 =	sld [smem:$0x3FAE]  }
0x30: {  	s3 =	sld [smem:$0x3FB1]  }
0x31: {  	[smem:$0x3FBA] =	sst s10  }
0x32: {  	s10 =	sld [smem:$0x3FB8];
	_ =	sdelay $0x3  }
0x33: {  	p0 =	seq.s32 s10, $0x1;
	s10 =	sld [smem:$0x3FBA];
	_ =	sdelay $0x3  }
0x34: {  	[smem:$0x3FBA] =	sst s10  }
0x35: {  	s10 =	sld [smem:$0x3FB9];
	_ =	sdelay $0x3  }
0x36: {  	p1 =	seq.s32 s10, $0x1;
	s10 =	sld [smem:$0x3FBA];
	_ =	sdelay $0x3  }
0x37: {  	[smem:$0x3FBA] =	sst s10  }
0x38: {  	s10 =	sld [smem:$0x3FBB]  }
0x39: {  	_ = 	snop;
	(pc) =	sbr.ind lr, $3  }
0x3a: {  	_ = 	snop  }
0x3b: {  	_ = 	snop  }
0x3c: {  	p2 =	seq.s32 s10, $0x1;
	s10 =	sld [smem:$0x3FBA]  }
0x3d: {  	_ =	shalt  }
0x3e: {  	_ =	shalt  }
0x3f: {  	_ =	shalt  }
0x40: {  	_ =	shalt  }
0x41: {  	_ =	shalt  }
0x42: {  	_ =	shalt  }
0x43: {  	_ =	shalt  }
0x44: {  	_ =	shalt  }
0x45: {  	_ =	shalt  }
0x46: {  	_ =	shalt  }
0x47: {  	_ =	shalt  }
0x48: {  	_ =	shalt  }
0x49: {  	_ =	shalt  }
0x4a: {  	_ =	shalt  }
0x4b: {  	_ =	shalt  }
0x4c: {  	_ =	shalt  }
0x4d: {  	_ =	shalt  }
0x4e: {  	_ =	shalt  }
0x4f: {  	_ =	shalt  }
0x50: {  	_ =	shalt  }
0x51: {  	_ =	shalt  }
0x52: {  	_ =	shalt  }
0x53: {  	_ =	shalt  }
0x54: {  	_ =	shalt  }
0x55: {  	_ =	shalt  }
0x56: {  	_ =	shalt  }
0x57: {  	_ =	shalt  }
0x58: {  	_ =	shalt  }
0x59: {  	_ =	shalt  }
0x5a: {  	_ =	shalt  }
0x5b: {  	_ =	shalt  }
0x5c: {  	_ =	shalt  }
0x5d: {  	_ =	shalt  }
0x5e: {  	_ =	shalt  }
0x5f: {  	_ =	shalt  }
0x60: {  	_ =	shalt  }
0x61: {  	_ =	shalt  }
0x62: {  	_ =	shalt  }
0x63: {  	_ =	shalt  }
0x64: {  	_ =	shalt  }
0x65: {  	_ =	shalt  }
0x66: {  	_ =	shalt  }
0x67: {  	_ =	shalt  }
0x68: {  	_ =	shalt  }
0x69: {  	_ =	shalt  }
0x6a: {  	_ =	shalt  }
0x6b: {  	_ =	shalt  }
0x6c: {  	_ =	shalt  }
0x6d: {  	_ =	shalt  }
0x6e: {  	_ =	shalt  }
0x6f: {  	_ =	shalt  }
0x70: {  	_ =	shalt  }
0x71: {  	_ =	shalt  }
0x72: {  	_ =	shalt  }
0x73: {  	_ =	shalt  }
0x74: {  	_ =	shalt  }
0x75: {  	_ =	shalt  }
0x76: {  	_ =	shalt  }
0x77: {  	_ =	shalt  }
0x78: {  	_ =	shalt  }
0x79: {  	_ =	shalt  }
0x7a: {  	_ =	shalt  }
0x7b: {  	_ =	shalt  }
0x7c: {  	_ =	shalt  }
0x7d: {  	_ =	shalt  }
0x7e: {  	_ =	shalt  }
0x7f: {  	_ =	shalt  }
0x80: {  	_ =	shalt  }
0x81: {  	_ =	shalt  }
0x82: {  	_ =	shalt  }
0x83: {  	_ =	shalt  }
0x84: {  	_ =	shalt  }
0x85: {  	_ =	shalt  }
0x86: {  	_ =	shalt  }
0x87: {  	_ =	shalt  }
.Lfunc_end0:
.L_simem_size_0:
called_computation_lowered:
.L_overlay_start_0:
0x88: {  	s2 =	sld [smem:$0x3FD9]  }
0x89: {  	s3 =	sld [smem:$0x3FFE];
	_ =	sdelay $0x1  }
0x8a: {  	s1 =	srdreg.scid  }
0x8b: {  	s0 =	sand.u32 $0x1, s1  }
0x8c: {  	s18 =	sshll.u32 s0, $0xA;
	s2 =	sadd.s32 s3, s2  }
0x8d: {  	s2 =	sadd.s32 s2, s18  }
0x8e: {  	[smem:$0x3FC6] =	sst s2  }
0x8f: {  	_ = 	snop  }
0x90: {  	s2 =	sld [smem:$0x3FC9]  }
0x91: {  	s19 =	sld [smem:$0x3FC8]  }
0x92: {  	s4 =	sld [smem:$0x3FD0];
	(tm) =	ssettm $0x1  }
0x93: {  	s5 =	sld [smem:$0x3FFB];
	_ =	sdelay $0x3  }
0x94: {  	_ =	strace s5  }
0x95: {  	s5 =	sld [smem:$0x3FFC];
	_ =	sdelay $0x3  }
0x96: {  	_ =	strace s5  }
0x97: {  	s5 =	sld [smem:$0x3FFD];
	_ =	sdelay $0x3  }
0x98: {  	_ =	strace s5  }
0x99: {  	_ =	strace $0x8FFFFFFF  }
0x9a: {  	s20 =	sld [smem:$0x3FDB];
	_ =	sdelay $0x1  }
0x9b: {  	s6 =	simm.s32 $_scs_section_size  }
0x9c: {  	s7 =	simm.s32 $_size__tile_overlayer_lowered;
	s8 =	simm.s32 $_tile_overlayer_lowered  }
0x9d: {  	s23 =	simm.s32 $0x1BFF;
	s22 =	sshll.u32 s8, $0x1;
	s5 =	sadd.s32 s6, s20  }
0x9e: {  	s9 =	simm.s32 $0x0;
	s21 =	sshll.u32 s7, $0x1;
	s7 =	sadd.s32 s22, s5  }
0x9f: {  	[timem:s9], [sflag:s23] =	dma.local [hbm:s7], s21  }
0xa0: {  	_ =	swait.ge [sflag:s23], s21  }
0xa1: {  	s6 =	ssub.s32 $0x0, s21;
	[sflag:s23] =	ssyncset.done $0x0  }
0xa2: {  	[sflag:s23] =	ssyncadd.s32 s6;
	_ =	sdelay $0x1  }
0xa3: {  	s24 =	simm.s32 $0x1B8B  }
0xa4: {  	_ =	swait.ge [sflag:s24], $0x1  }
0xa5: {  	[sflag:s24] =	ssyncset.done $0x0  }
0xa6: {  	s25 =	simm.s32 $0x1B8E;
	[sflag:s24] =	ssyncadd.s32 $0xFFFFFFFF  }
0xa7: {  	s26 =	simm.s32 $execute0_lowered;
	[smem:$0x3FD2] =	sst s25  }
0xa8: {  	s6 =	sshll.u32 s26, $0x1;
	_ =	strace $0x80000046;
	[dreg:$0x1] =	wrdreg $0xFFFFFFFF  }
0xa9: {  	s28 =	simm.s32 $_size_execute0_lowered;
	s5 =	sadd.s32 s5, s6;
	[dreg:$0x0] =	wrdreg $0x0  }
0xaa: {  	s6 =	sshll.u32 s28, $0x1;
	[dreg:$0x2] =	wrdreg s5  }
0xab: {  	[dreg:$0x3] =	wrdreg s6  }
0xac: {  	[dreg:$0x4] =	wrdreg $0xC0  }
0xad: {  	_ =	task [dreg:s9], $0x5FFFF  }
0xae: {  	[dreg:$0x1] =	wrdreg $0xFFFFFFFF  }
0xaf: {  	[dreg:$0x0] =	wrdreg $0x60  }
0xb0: {  	[dreg:$0x2] =	wrdreg s19  }
0xb1: {  	[dreg:$0x3] =	wrdreg s2  }
0xb2: {  	[dreg:$0x4] =	wrdreg s4  }
0xb3: {  	[dreg:$0x5] =	wrdreg $0x9  }
0xb4: {  	_ =	task.clear_ibuf [dreg:s9], $0x6FFFF;
	_ =	strace $0x90000046  }
0xb5: {  	s29 =	simm.s32 $0x9;
	_ =	strace $0x80000048  }
0xb6: {  	_ =	swait.ge [sflag:s29], $0x1  }
0xb7: {  	[sflag:s29] =	ssyncadd.s32 $0xFFFFFFFF  }
0xb8: {  	_ =	strace $0x90000048  }
0xb9: {  	_ =	sfence  }
0xba: {  	s30 =	sld [smem:$0x0];
	_ =	sdelay $0x2  }
0xbb: {  	s31 =	sshll.u32 s1, $0xD;
	s1 =	sshrl.u32 s1, $0x2  }
0xbc: {  	s3 =	sand.u32 $0x4000, s31;
	s1 =	sadd.s32 s1, s30  }
0xbd: {  	s0 =	sor.u32 s3, s0;
	s1 =	sshll.u32 s1, $0x11  }
0xbe: {  	s0 =	sor.u32 s1, s0  }
0xbf: {  	s0 =	sadd.s32 $0x8F2B, s0  }
0xc0: {  	[sflag:s0] =	ssyncadd.remote.s32 $0x1  }
0xc1: {  	_ =	sfence.sel $0xFFFF  }
0xc2: {  	[dreg:$0x0] =	wrdreg $0xFFFFFFFF;
	(pc) =	sbr.abs _section_cstart, $3  }
0xc3: {  	[dreg:$0x1] =	wrdreg $0xFFFFFFFF  }
0xc4: {  	_ =	task.clear_ibuf [dreg:s9], $0x2FFFF;
	_ =	strace $0x9FFFFFFF  }
0xc5: {  	(tm) =	ssettm $0x7FFFFFFF  }
tec
execute0_lowered:
.L_overlay_start_1:
0x0: {  	(tag) =	ssettag $0x1  }
0x1: {  	s1 =	rddreg [dreg:$0x0]  }
0x2: {  	s0 =	rddreg [dreg:$0x1]  }
0x3: {  	s3 =	rddreg [dreg:$0x2]  }
0x4: {  	s2 =	srdreg.scid;
	s9 =	stileid.u32;
	s4 =	simm.s32 $0x0  }
0x5: {  	s28 =	simm.s32 $0xDC00;
	s29 =	simm.s32 $0x2;
	s30 =	simm.s32 $0x3  }
0x6: {  	s31 =	simm.s32 $0x4;
	s17 =	simm.s32 $0x7;
	s2 =	sand.u32 $0x1, s2  }
0x7: {  	s5 =	sshll.u32 s9, $0x8;
	[smem:$0x7FF] =	sst s4;
	s21 =	sshll.u32 s9, $0xF  }
0x8: {  	s6 =	sshll.u32 s2, $0x7;
	_ =	strace $0x80000047;
	s7 =	ssub.s32 $0x2, s2  }
0x9: {  	s2 =	sshll.u32 s2, $0xE;
	s5 =	sor.u32 s6, s5;
	s8 =	sshrl.u32 s7, $0x1  }
0xa: {  	s2 =	sor.u32 s2, s21;
	s21 =	simm.s32 $0x80;
	s6 =	sshll.u32 s5, $0x4  }
0xb: {  	s5 =	sadd.s32 s0, s5;
	s18 =	ssub.s32 s7, s8;
	s24 =	sor.u32 $0x280000, s2  }
0xc: {  	s15 =	sor.u32 $0x200000, s2;
	s0 =	simm.s32 $0x5;
	s6 =	sadd.s32 s3, s6  }
0xd: {  	[dreg:$0x4] =	wrdreg s5;
	s5 =	sadd.s32 $0x6000, s5;
	s13 =	smax.u32 s18, $0x1  }
0xe: {  	s26 =	sshrl.u32 s24, $0x3;
	s18 =	simm.s32 $0x8;
	s24 =	simm.s32 $0x9  }
0xf: {  	[dreg:$0x5] =	wrdreg s5;
	s19 =	sadd.s32 $0x10000, s6;
	s20 =	sadd.s32 $0x2E0000, s6  }
0x10: {  	s22 =	sadd.s32 $0x2F0000, s6;
	s23 =	sadd.s32 $0x300000, s6;
	[dreg:$0x6] =	wrdreg s19  }
0x11: {  	s12 =	sadd.s32 $0x310000, s6;
	s5 =	sshrl.u32 s2, $0x3;
	[dreg:$0x7] =	wrdreg s20  }
0x12: {  	s16 =	sadd.s32 s26, s3;
	s2 =	simm.s32 $0x6;
	[dreg:$0x8] =	wrdreg s22  }
0x13: {  	s26 =	simm.s32 $0x0;
	[dreg:$0x9] =	wrdreg s23;
	s25 =	sadd.s32 s5, s3  }
0x14: {  	s19 =	simm.s32 $0x1800;
	s20 =	simm.s32 $0x1;
	s22 =	simm.s32 $0x1C00  }
0x15: {  	s23 =	simm.s32 $0x5C00;
	s14 =	sadd.s32 $0x30000, s25;
	s25 =	simm.s32 $0x9C00  }
.LBB2_1:
0x16: {  	s5 =	rddreg [dreg:$0x4];
	s7 =	simm.s32 $0x400;
	s8 =	simm.s32 $0x8000  }
0x17: {  	[tilespmem:s4], [sflag:$0x1] =	stream.strided.gather [hbm4b:s5+s7], $0x1800, s8, s7, $0x38;
	[tilespmem:$0x11C00] =	vst v63  }
0x18: {  	s8 =	rddreg [dreg:$0x5]  }
0x19: {  	[tilespmem:s19], [sflag:$0x1] =	stream.linear.gather [hbm4b:s8+s4], $0x100, $0x38;
	[tilespmem:$0x11C00] =	vst v63  }
0x1a: {  	_ =	swait.ge [sflag:s20], $0x1900  }
0x1b: {  	[sflag:s20] =	ssyncset.done $0x0  }
0x1c: {  	[sflag:s20] =	ssyncadd.s32 $0xFFFFE700  }
0x1d: {  	[tilespmem:s22], [sflag:$0x2] =	stream.indirect.gather [hbm4b:s1+s21], $0x80, s4, s21, $0xb8;
	[tilespmem:$0x11C00] =	vst v63  }
0x1e: {  	_ = 	snop  }
0x1f: {  	[tilespmem:s23], [sflag:$0x3] =	stream.indirect.gather [hbm4b:s1+s21], $0x80, s21, s21, $0xb8;
	[tilespmem:$0x11C00] =	vst v63  }
0x20: {  	s9 =	simm.s32 $0x100  }
0x21: {  	[tilespmem:s25], [sflag:$0x4] =	stream.indirect.gather [hbm4b:s1+s21], $0x80, s9, s21, $0xb8;
	[tilespmem:$0x11C00] =	vst v63  }
0x22: {  	s10 =	simm.s32 $0x180  }
0x23: {  	[tilespmem:s28], [sflag:$0x5] =	stream.indirect.gather [hbm4b:s1+s21], $0x80, s10, s21, $0xb8;
	[tilespmem:$0x11C00] =	vst v63  }
0x24: {  	_ =	swait.ge [sflag:s29], $0x4000  }
0x25: {  	[sflag:s29] =	ssyncset.done $0x0  }
0x26: {  	[sflag:s29] =	ssyncadd.s32 $0xFFFFC000  }
0x27: {  	[hbm4b:s6+s4] =	stream.linear.scatter [tilespmem:s22], [sflag:$0x6], $0x4000, $0x38;
	[tilespmem:$0x11C00] =	vst v63  }
0x28: {  	_ =	swait.ge [sflag:s30], $0x4000  }
0x29: {  	[sflag:s30] =	ssyncset.done $0x0  }
0x2a: {  	s11 =	rddreg [dreg:$0x6];
	[sflag:s30] =	ssyncadd.s32 $0xFFFFC000  }
0x2b: {  	[hbm4b:s11+s4] =	stream.linear.scatter [tilespmem:s23], [sflag:$0x7], $0x4000, $0x38;
	[tilespmem:$0x11C00] =	vst v63  }
0x2c: {  	_ =	swait.ge [sflag:s31], $0x4000  }
0x2d: {  	[sflag:s31] =	ssyncset.done $0x0  }
0x2e: {  	s7 =	sadd.s32 $0xFFFF0000, s14;
	[sflag:s31] =	ssyncadd.s32 $0xFFFFC000  }
0x2f: {  	[hbm4b:s7+s4] =	stream.linear.scatter [tilespmem:s25], [sflag:$0x8], $0x4000, $0x38;
	[tilespmem:$0x11C00] =	vst v63  }
0x30: {  	_ =	swait.ge [sflag:s0], $0x4000  }
0x31: {  	[sflag:s0] =	ssyncset.done $0x0  }
0x32: {  	[sflag:s0] =	ssyncadd.s32 $0xFFFFC000  }
0x33: {  	[hbm4b:s14+s4] =	stream.linear.scatter [tilespmem:s28], [sflag:$0x9], $0x4000, $0x38;
	[tilespmem:$0x11C00] =	vst v63  }
0x34: {  	_ =	swait.ge [sflag:s2], $0x4000  }
0x35: {  	[sflag:s2] =	ssyncset.done $0x0  }
0x36: {  	s8 =	simm.s32 $0x200;
	[sflag:s2] =	ssyncadd.s32 $0xFFFFC000  }
0x37: {  	[tilespmem:s22], [sflag:$0x2] =	stream.indirect.gather [hbm4b:s1+s21], $0x80, s8, s21, $0xb8;
	[tilespmem:$0x11C00] =	vst v63  }
0x38: {  	_ =	swait.ge [sflag:s17], $0x4000  }
0x39: {  	[sflag:s17] =	ssyncset.done $0x0  }
0x3a: {  	s9 =	simm.s32 $0x280;
	[sflag:s17] =	ssyncadd.s32 $0xFFFFC000  }
0x3b: {  	[tilespmem:s23], [sflag:$0x3] =	stream.indirect.gather [hbm4b:s1+s21], $0x80, s9, s21, $0xb8;
	[tilespmem:$0x11C00] =	vst v63  }
0x3c: {  	_ =	swait.ge [sflag:s29], $0x4000  }
0x3d: {  	s10 =	sshrl.u32 s15, $0x3;
	[sflag:s29] =	ssyncset.done $0x0  }
0x3e: {  	s5 =	sadd.s32 s3, s10;
	[sflag:s29] =	ssyncadd.s32 $0xFFFFC000  }
0x3f: {  	[hbm4b:s5+s4] =	stream.linear.scatter [tilespmem:s22], [sflag:$0x6], $0x4000, $0x38;
	[tilespmem:$0x11C00] =	vst v63  }
0x40: {  	_ =	swait.ge [sflag:s30], $0x4000  }
0x41: {  	[sflag:s30] =	ssyncset.done $0x0  }
0x42: {  	[sflag:s30] =	ssyncadd.s32 $0xFFFFC000  }
0x43: {  	[hbm4b:s16+s4] =	stream.linear.scatter [tilespmem:s23], [sflag:$0x7], $0x4000, $0x38;
	[tilespmem:$0x11C00] =	vst v63  }
0x44: {  	_ =	swait.ge [sflag:s18], $0x4000  }
0x45: {  	[sflag:s18] =	ssyncset.done $0x0  }
0x46: {  	s11 =	simm.s32 $0x300;
	[sflag:s18] =	ssyncadd.s32 $0xFFFFC000  }
0x47: {  	[tilespmem:s25], [sflag:$0x4] =	stream.indirect.gather [hbm4b:s1+s21], $0x80, s11, s21, $0xb8;
	[tilespmem:$0x11C00] =	vst v63  }
0x48: {  	s10 =	simm.s32 $0x380;
	_ =	swait.ge [sflag:s24], $0x4000  }
0x49: {  	s7 =	simm.s32 $0x800;
	s8 =	sadd.s32 $0x200000, s15;
	[sflag:s24] =	ssyncset.done $0x0  }
0x4a: {  	s9 =	sadd.s32 $0x40000, s16;
	s5 =	sadd.s32 $0x40000, s14;
	[sflag:s24] =	ssyncadd.s32 $0xFFFFC000  }
.LBB2_2:
0x4b: {  	[tilespmem:s28], [sflag:$0x5] =	stream.indirect.gather [hbm4b:s1+s21], $0x80, s10, s21, $0xb8;
	[tilespmem:$0x11C00] =	vst v63  }
0x4c: {  	s10 =	smov.u32 s7  }
0x4d: {  	p0 =	sne.s32 s7, $0x5000;
	s7 =	sadd.s32 $0x800, s7;
	_ =	swait.ge [sflag:s31], $0x4000  }
0x4e: {  	[sflag:s31] =	ssyncset.done $0x0  }
0x4f: {  	s11 =	sadd.s32 $0xFFFF0000, s5;
	[sflag:s31] =	ssyncadd.s32 $0xFFFFC000  }
0x50: {  	[hbm4b:s11+s4] =	stream.linear.scatter [tilespmem:s25], [sflag:$0x8], $0x4000, $0x38;
	[tilespmem:$0x11C00] =	vst v63  }
0x51: {  	_ =	swait.ge [sflag:s0], $0x4000  }
0x52: {  	[sflag:s0] =	ssyncset.done $0x0  }
0x53: {  	[sflag:s0] =	ssyncadd.s32 $0xFFFFC000  }
0x54: {  	[hbm4b:s5+s4] =	stream.linear.scatter [tilespmem:s28], [sflag:$0x9], $0x4000, $0x38;
	[tilespmem:$0x11C00] =	vst v63  }
0x55: {  	_ =	swait.ge [sflag:s2], $0x4000  }
0x56: {  	s10 =	sshra.s32 s10, $0x2;
	[sflag:s2] =	ssyncset.done $0x0  }
0x57: {  	s11 =	sadd.s32 $0x200, s10;
	[sflag:s2] =	ssyncadd.s32 $0xFFFFC000  }
0x58: {  	[tilespmem:s22], [sflag:$0x2] =	stream.indirect.gather [hbm4b:s1+s21], $0x80, s11, s21, $0xb8;
	[tilespmem:$0x11C00] =	vst v63  }
0x59: {  	_ =	swait.ge [sflag:s17], $0x4000  }
0x5a: {  	[sflag:s17] =	ssyncset.done $0x0  }
0x5b: {  	s11 =	sadd.s32 $0x280, s10;
	[sflag:s17] =	ssyncadd.s32 $0xFFFFC000  }
0x5c: {  	[tilespmem:s23], [sflag:$0x3] =	stream.indirect.gather [hbm4b:s1+s21], $0x80, s11, s21, $0xb8;
	[tilespmem:$0x11C00] =	vst v63  }
0x5d: {  	_ =	swait.ge [sflag:s29], $0x4000  }
0x5e: {  	s11 =	sshrl.u32 s8, $0x3;
	[sflag:s29] =	ssyncset.done $0x0  }
0x5f: {  	s11 =	sadd.s32 s3, s11;
	[sflag:s29] =	ssyncadd.s32 $0xFFFFC000  }
0x60: {  	[hbm4b:s11+s4] =	stream.linear.scatter [tilespmem:s22], [sflag:$0x6], $0x4000, $0x38;
	[tilespmem:$0x11C00] =	vst v63  }
0x61: {  	_ =	swait.ge [sflag:s30], $0x4000  }
0x62: {  	[sflag:s30] =	ssyncset.done $0x0  }
0x63: {  	[sflag:s30] =	ssyncadd.s32 $0xFFFFC000  }
0x64: {  	[hbm4b:s9+s4] =	stream.linear.scatter [tilespmem:s23], [sflag:$0x7], $0x4000, $0x38;
	[tilespmem:$0x11C00] =	vst v63  }
0x65: {  	_ =	swait.ge [sflag:s18], $0x4000  }
0x66: {  	[sflag:s18] =	ssyncset.done $0x0  }
.Ltmp0:
0x67: {  	s11 =	sadd.s32 $0x300, s10;
	[sflag:s18] =	ssyncadd.s32 $0xFFFFC000;
	(pc) =	sbr.rel @p0 .LBB2_2-.Ltmp0, $4  }
0x68: {  	[tilespmem:s25], [sflag:$0x4] =	stream.indirect.gather [hbm4b:s1+s21], $0x80, s11, s21, $0xb8;
	[tilespmem:$0x11C00] =	vst v63  }
0x69: {  	_ =	swait.ge [sflag:s24], $0x4000  }
0x6a: {  	s8 =	sadd.s32 $0x200000, s8;
	s9 =	sadd.s32 $0x40000, s9;
	[sflag:s24] =	ssyncset.done $0x0  }
0x6b: {  	s5 =	sadd.s32 $0x40000, s5;
	s10 =	sadd.s32 $0x380, s10;
	[sflag:s24] =	ssyncadd.s32 $0xFFFFC000  }
0x6c: {  	[tilespmem:s28], [sflag:$0x5] =	stream.indirect.gather [hbm4b:s1+s21], $0x80, s10, s21, $0xb8;
	[tilespmem:$0x11C00] =	vst v63  }
0x6d: {  	_ =	swait.ge [sflag:s31], $0x4000  }
0x6e: {  	[sflag:s31] =	ssyncset.done $0x0  }
0x6f: {  	s5 =	rddreg [dreg:$0x7];
	[sflag:s31] =	ssyncadd.s32 $0xFFFFC000  }
0x70: {  	[hbm4b:s5+s4] =	stream.linear.scatter [tilespmem:s25], [sflag:$0x8], $0x4000, $0x38;
	[tilespmem:$0x11C00] =	vst v63  }
0x71: {  	_ =	swait.ge [sflag:s0], $0x4000  }
0x72: {  	[sflag:s0] =	ssyncset.done $0x0  }
0x73: {  	s9 =	rddreg [dreg:$0x8];
	[sflag:s0] =	ssyncadd.s32 $0xFFFFC000  }
0x74: {  	[hbm4b:s9+s4] =	stream.linear.scatter [tilespmem:s28], [sflag:$0x9], $0x4000, $0x38;
	[tilespmem:$0x11C00] =	vst v63  }
0x75: {  	_ =	swait.ge [sflag:s2], $0x4000  }
0x76: {  	[sflag:s2] =	ssyncset.done $0x0  }
0x77: {  	[sflag:s2] =	ssyncadd.s32 $0xFFFFC000  }
0x78: {  	[tilespmem:s22], [sflag:$0x2] =	stream.indirect.gather [hbm4b:s1+s21], $0x80, s19, s21, $0xb8;
	[tilespmem:$0x11C00] =	vst v63  }
0x79: {  	_ =	swait.ge [sflag:s17], $0x4000  }
0x7a: {  	[sflag:s17] =	ssyncset.done $0x0  }
0x7b: {  	s10 =	simm.s32 $0x1880;
	[sflag:s17] =	ssyncadd.s32 $0xFFFFC000  }
0x7c: {  	[tilespmem:s23], [sflag:$0x3] =	stream.indirect.gather [hbm4b:s1+s21], $0x80, s10, s21, $0xb8;
	[tilespmem:$0x11C00] =	vst v63  }
0x7d: {  	_ =	swait.ge [sflag:s29], $0x4000  }
0x7e: {  	[sflag:s29] =	ssyncset.done $0x0  }
0x7f: {  	s11 =	rddreg [dreg:$0x9];
	[sflag:s29] =	ssyncadd.s32 $0xFFFFC000  }
0x80: {  	[hbm4b:s11+s4] =	stream.linear.scatter [tilespmem:s22], [sflag:$0x6], $0x4000, $0x38;
	[tilespmem:$0x11C00] =	vst v63  }
0x81: {  	_ =	swait.ge [sflag:s30], $0x4000  }
0x82: {  	[sflag:s30] =	ssyncset.done $0x0  }
0x83: {  	[sflag:s30] =	ssyncadd.s32 $0xFFFFC000  }
0x84: {  	[hbm4b:s12+s4] =	stream.linear.scatter [tilespmem:s23], [sflag:$0x7], $0x4000, $0x38;
	[tilespmem:$0x11C00] =	vst v63  }
0x85: {  	_ =	swait.ge [sflag:s18], $0x4000  }
0x86: {  	[sflag:s18] =	ssyncset.done $0x0  }
0x87: {  	[sflag:s18] =	ssyncadd.s32 $0xFFFFC000  }
0x88: {  	_ =	swait.ge [sflag:s24], $0x4000  }
0x89: {  	[sflag:s24] =	ssyncset.done $0x0  }
0x8a: {  	s26 =	sadd.s32 $0x1, s26;
	[sflag:s24] =	ssyncadd.s32 $0xFFFFC000  }
0x8b: {  	p0 =	sne.s32 s26, s13;
	_ =	swait.ge [sflag:s2], $0x4000  }
.Ltmp1:
0x8c: {  	[sflag:s2] =	ssyncset.done $0x0;
	(pc) =	sbr.rel @p0 .LBB2_1-.Ltmp1, $4  }
0x8d: {  	[sflag:s2] =	ssyncadd.s32 $0xFFFFC000  }
0x8e: {  	_ =	swait.ge [sflag:s17], $0x4000  }
0x8f: {  	[sflag:s17] =	ssyncset.done $0x0  }
0x90: {  	[sflag:s17] =	ssyncadd.s32 $0xFFFFC000  }
0x91: {  	_ =	sfence.sel $0x180000  }
0x92: {  	[bflag:$0x0] =	sbarrier.arrive $0xFFFF  }
0x93: {  	_ =	strace $0x90000047  }
0x94: {  	s0 =	stileid.u32;
	[bflag:$0x2] =	sbarrier.arrive $0xFFFF  }
0x95: {  	p0 =	sne.s32 s0, $0x0;
	s0 =	rddreg [dreg:$0x3]  }
0x96: {  	s0 =	sadd.s32 @!p0 $0x100000, s0  }
0x97: {  	[sflag:s0] =	ssyncadd.tile.s32 @!p0 $0x1;
	_ =	shalt  }
.Lfunc_end2:
_tile_overlayer_lowered:
.L_overlay_start_2:
0x98: {  	(tag) =	ssettag $0x2  }
0x99: {  	s0 =	rddreg [dreg:$0x0];
	s2 =	stileid.u32  }
0x9a: {  	s1 =	rddreg [dreg:$0x1];
	p0 =	sne.s32 s2, $0x0  }
0x9b: {  	s3 =	rddreg [dreg:$0x2];
	[bflag:$0x3] =	sbarrier.arrive $0xFFFF;
	s2 =	simm.s32 @!p0 $0x1C0A  }
0x9c: {  	[timem:s3], [sflag:s2] =	dma.local @!p0 [hbm:s0], s1  }
0x9d: {  	s0 =	simm.s32 @!p0 $0xA  }
0x9e: {  	_ =	swait.ge @!p0 [sflag:s0], s1  }
0x9f: {  	s1 =	ssub.s32 @!p0 $0x0, s1;
	[sflag:s0] =	ssyncset.done @!p0 $0x0  }
0xa0: {  	[sflag:s0] =	ssyncadd.s32 @!p0 s1  }
0xa1: {  	[bflag:$0x3] =	sbarrier.arrive $0xFFFF  }
0xa2: {  	_ =	shalt  }

</sc_bundles>
